<compile_context>
chip_gen: v7x
topology: tpu7x:2x2x1
jax: 0.10.2.dev20260603
libtpu: 0.0.44.dev20260713+nightly
codegen_flags: <defaults>
</compile_context>

<pallas_src>
import math

import jax
import jax.numpy as jnp
from jax import lax
from jax.experimental import pallas as pl
from jax.experimental.pallas import tpu as pltpu
from jax.experimental.pallas import tpu_sc as plsc

_N = 1000
_NP = 1024
_K = 80
_SCORE_THRESH = 0.05
_NMS_THRESH = 0.5
_DETS = 100
_SCALE_CLAMP = math.log(1000.0 / 16.0)
_NEG = -1e9
_OFFSET = 4096.0

_NC = 2
_NS = 16
_NW = _NC * _NS
_FLAT = _NP * _K
_CHUNK = _FLAT // _NW
_UNROLL = 4
_VECS = _CHUNK // (16 * _UNROLL)
_CAP = 128
_TOT = _NW * _CAP
_ROWS = _TOT // 128


def _dense_body(prop_ref, logits_ref, dx_ref, dy_ref, dw_ref, dh_ref, out_ref):
    logits = logits_ref[...]
    m = jnp.max(logits, axis=1, keepdims=True)
    e = jnp.exp(logits - m)
    probs = e / jnp.sum(e, axis=1, keepdims=True)
    sc = probs[:, :_K]
    out_ref[0, 0:_N, :] = jnp.where(sc > _SCORE_THRESH, sc, _NEG)
    out_ref[0, _N:_NP, :] = jnp.full((_NP - _N, _K), _NEG, jnp.float32)

    p = prop_ref[...]
    w = p[:, 2:3] - p[:, 0:1]
    h = p[:, 3:4] - p[:, 1:2]
    cx = p[:, 0:1] + 0.5 * w
    cy = p[:, 1:2] + 0.5 * h
    dx = dx_ref[...] / 10.0
    dy = dy_ref[...] / 10.0
    dw = jnp.minimum(dw_ref[...] / 5.0, _SCALE_CLAMP)
    dh = jnp.minimum(dh_ref[...] / 5.0, _SCALE_CLAMP)
    pcx = dx * w + cx
    pcy = dy * h + cy
    pw = jnp.exp(dw) * w
    ph = jnp.exp(dh) * h
    off = lax.broadcasted_iota(jnp.int32, (_N, _K), 1).astype(jnp.float32) * _OFFSET
    zpad = jnp.zeros((_NP - _N, _K), jnp.float32)
    out_ref[1, 0:_N, :] = (pcx - 0.5 * pw) + off
    out_ref[1, _N:_NP, :] = zpad
    out_ref[2, 0:_N, :] = (pcy - 0.5 * ph) + off
    out_ref[2, _N:_NP, :] = zpad
    out_ref[3, 0:_N, :] = (pcx + 0.5 * pw) + off
    out_ref[3, _N:_NP, :] = zpad
    out_ref[4, 0:_N, :] = (pcy + 0.5 * ph) + off
    out_ref[4, _N:_NP, :] = zpad


def _dense(proposals, class_logits, dx, dy, dw, dh):
    return pl.pallas_call(
        _dense_body,
        out_shape=jax.ShapeDtypeStruct((5, _NP, _K), jnp.float32),
    )(proposals, class_logits, dx, dy, dw, dh)


def _compact_body(planes_hbm, out_hbm,
                  s_v, x1_v, y1_v, x2_v, y2_v, idx_v,
                  os_v, ox1_v, oy1_v, ox2_v, oy2_v, oid_v):
    cid = lax.axis_index("c")
    sid = lax.axis_index("s")
    wid = sid * _NC + cid
    base = wid * _CHUNK

    pltpu.sync_copy(planes_hbm.at[pl.ds(0 * _FLAT + base, _CHUNK)], s_v)
    pltpu.sync_copy(planes_hbm.at[pl.ds(1 * _FLAT + base, _CHUNK)], x1_v)
    pltpu.sync_copy(planes_hbm.at[pl.ds(2 * _FLAT + base, _CHUNK)], y1_v)
    pltpu.sync_copy(planes_hbm.at[pl.ds(3 * _FLAT + base, _CHUNK)], x2_v)
    pltpu.sync_copy(planes_hbm.at[pl.ds(4 * _FLAT + base, _CHUNK)], y2_v)

    zero16 = jnp.zeros((16,), jnp.int32)
    for j in range(_CAP // 16):
        idx_v[pl.ds(j * 16, 16)] = zero16

    lane = lax.iota(jnp.int32, 16)
    start = jnp.zeros((16,), jnp.int32) + jnp.where(wid == 0, 1, 0)

    def scan_body(v, cnt):
        b = v * (16 * _UNROLL)
        for u in range(_UNROLL):
            sv = s_v[pl.ds(b + u * 16, 16)]
            m = sv > _SCORE_THRESH
            pos = plsc.cumsum(jnp.where(m, 1, 0))
            dst = cnt + pos - 1
            m2 = jnp.logical_and(m, dst < _CAP)
            plsc.store_scatter(idx_v, [dst], lane + (b + u * 16), mask=m2)
            cnt = cnt + plsc.all_reduce_population_count(m2)
        return cnt

    cnt = lax.fori_loop(0, _VECS, scan_body, start)

    w0 = wid == 0
    for j in range(_CAP // 16):
        iv = idx_v[pl.ds(j * 16, 16)]
        gx1 = plsc.load_gather(x1_v, [iv])
        gy1 = plsc.load_gather(y1_v, [iv])
        gx2 = plsc.load_gather(x2_v, [iv])
        gy2 = plsc.load_gather(y2_v, [iv])
        gs = plsc.load_gather(s_v, [iv])
        valid = (lane + j * 16) < cnt
        gs = jnp.where(valid, gs, _NEG)
        if j == 0:
            gs = jnp.where(jnp.logical_and(w0, lane == 0), _NEG, gs)
        sl = pl.ds(j * 16, 16)
        os_v[sl] = gs
        ox1_v[sl] = gx1
        oy1_v[sl] = gy1
        ox2_v[sl] = gx2
        oy2_v[sl] = gy2
        oid_v[sl] = (iv + base).astype(jnp.float32)

    pltpu.sync_copy(os_v, out_hbm.at[0, wid])
    pltpu.sync_copy(ox1_v, out_hbm.at[1, wid])
    pltpu.sync_copy(oy1_v, out_hbm.at[2, wid])
    pltpu.sync_copy(ox2_v, out_hbm.at[3, wid])
    pltpu.sync_copy(oy2_v, out_hbm.at[4, wid])
    pltpu.sync_copy(oid_v, out_hbm.at[5, wid])


def _compact(planes_flat):
    chunk = pltpu.VMEM((_CHUNK,), jnp.float32)
    seg_f = pltpu.VMEM((_CAP,), jnp.float32)
    seg_i = pltpu.VMEM((_CAP,), jnp.int32)
    mesh = plsc.VectorSubcoreMesh(
        core_axis_name="c", subcore_axis_name="s",
        num_cores=_NC, num_subcores=_NS)
    run = pl.kernel(
        _compact_body,
        out_type=jax.ShapeDtypeStruct((6, _NW, _CAP), jnp.float32),
        mesh=mesh,
        scratch_types=[chunk] * 5 + [seg_i, seg_f, seg_f, seg_f, seg_f, seg_f, seg_f],
        compiler_params=pltpu.CompilerParams(needs_layout_passes=False),
    )
    return run(planes_flat)


def _nms_body(tab_ref, out_ref):
    s0v = tab_ref[0]
    fx1 = tab_ref[1]
    fy1 = tab_ref[2]
    fx2 = tab_ref[3]
    fy2 = tab_ref[4]
    fid = tab_ref[5]
    area = (fx2 - fx1) * (fy2 - fy1)
    pos = (lax.broadcasted_iota(jnp.int32, (_ROWS, 128), 0) * 128
           + lax.broadcasted_iota(jnp.int32, (_ROWS, 128), 1))
    lane = lax.broadcasted_iota(jnp.int32, (1, 128), 1)
    s0 = pos == 0
    sx1 = jnp.sum(jnp.where(s0, fx1, 0.0))
    sy1 = jnp.sum(jnp.where(s0, fy1, 0.0))
    sx2 = jnp.sum(jnp.where(s0, fx2, 0.0))
    sy2 = jnp.sum(jnp.where(s0, fy2, 0.0))

    def body(i, carry):
        s, best, bx1, by1, bx2, by2, bsc, bcl = carry
        neg = best == _NEG
        eq = s == best
        gx1 = jnp.sum(jnp.where(eq, fx1, 0.0))
        gy1 = jnp.sum(jnp.where(eq, fy1, 0.0))
        gx2 = jnp.sum(jnp.where(eq, fx2, 0.0))
        gy2 = jnp.sum(jnp.where(eq, fy2, 0.0))
        gid = jnp.sum(jnp.where(eq, fid, 0.0))
        gx1 = jnp.where(neg, sx1, gx1)
        gy1 = jnp.where(neg, sy1, gy1)
        gx2 = jnp.where(neg, sx2, gx2)
        gy2 = jnp.where(neg, sy2, gy2)
        gid = jnp.where(neg, 0.0, gid)
        cls = jnp.mod(gid.astype(jnp.int32), _K)
        co = cls.astype(jnp.float32) * _OFFSET
        a1 = (gx2 - gx1) * (gy2 - gy1)
        xx1 = jnp.maximum(gx1, fx1)
        yy1 = jnp.maximum(gy1, fy1)
        xx2 = jnp.minimum(gx2, fx2)
        yy2 = jnp.minimum(gy2, fy2)
        inter = jnp.maximum(xx2 - xx1, 0.0) * jnp.maximum(yy2 - yy1, 0.0)
        iou = inter / (a1 + area - inter + 1e-9)
        s = jnp.where(iou > _NMS_THRESH, _NEG, s)
        nbest = jnp.max(s)
        pick = lane == i
        return (s, nbest,
                jnp.where(pick, gx1 - co, bx1), jnp.where(pick, gy1 - co, by1),
                jnp.where(pick, gx2 - co, bx2), jnp.where(pick, gy2 - co, by2),
                jnp.where(pick, best, bsc),
                jnp.where(pick, cls.astype(jnp.float32), bcl))

    zf = jnp.zeros((1, 128), jnp.float32)
    carry = (s0v, jnp.max(s0v), zf, zf, zf, zf, zf, zf)
    out = lax.fori_loop(0, _DETS, body, carry)
    _, _, bx1, by1, bx2, by2, bsc, bcl = out
    out_ref[...] = jnp.concatenate([bx1, by1, bx2, by2, bsc, bcl], axis=0)


def _nms(tab):
    return pl.pallas_call(
        _nms_body,
        out_shape=jax.ShapeDtypeStruct((6, 128), jnp.float32),
    )(tab)


def kernel(proposals, class_logits, box_deltas):
    d = box_deltas.reshape(_N, _K, 4)
    planes = _dense(
        proposals, class_logits, d[:, :, 0], d[:, :, 1], d[:, :, 2], d[:, :, 3])
    ctab = _compact(planes.reshape(-1))
    o = _nms(ctab.reshape(6, _ROWS, 128))
    det_boxes = jnp.stack(
        [o[0, :_DETS], o[1, :_DETS], o[2, :_DETS], o[3, :_DETS]], axis=1)
    return det_boxes, o[4, :_DETS], o[5, :_DETS].astype(jnp.int32)

# --- scband reference (transcript-rebuilt; emitter-appended) ---
"""Pipeline reference for scband-standard-roiheads-4655744549653 (READ-ONLY COPY).

The authoritative reference and input builder live on the scoring server;
editing this copy changes nothing except your own understanding.
"""

import jax, jax.numpy as jnp
import numpy as np

N = 1000
NUM_CLASSES = 80
SCORE_THRESH = 0.05
NMS_THRESH = 0.5
DETECTIONS_PER_IMG = 100
WEIGHTS = (10.0, 10.0, 5.0, 5.0)
SCALE_CLAMP = float(np.log(1000.0 / 16.0))
NEG = -1e9
CLASS_OFFSET = 4096.0


def setup_inputs(seed: int = 0) -> dict:
    key = jax.random.key(seed)
    k1, k2, k3 = jax.random.split(key, 3)
    # proposals: fill=rand, scaled into valid (x1, y1, x2, y2) boxes inside a ~1024px image
    u = jax.random.uniform(k1, (N, 4), dtype=jnp.float32)
    x1 = u[:, 0] * 900.0
    y1 = u[:, 1] * 900.0
    w = u[:, 2] * 120.0 + 8.0
    h = u[:, 3] * 120.0 + 8.0
    proposals = jnp.stack([x1, y1, x1 + w, y1 + h], axis=1)
    class_logits = jax.random.normal(k2, (N, NUM_CLASSES + 1), dtype=jnp.float32)
    box_deltas = jax.random.normal(k3, (N, NUM_CLASSES * 4), dtype=jnp.float32) * 0.5
    return {"proposals": proposals, "class_logits": class_logits, "box_deltas": box_deltas}


def apply_deltas(deltas, boxes):
    # Box2BoxTransform.apply_deltas with weights (10, 10, 5, 5), as in FastRCNNOutputs inference
    widths = boxes[:, 2] - boxes[:, 0]
    heights = boxes[:, 3] - boxes[:, 1]
    ctr_x = boxes[:, 0] + 0.5 * widths
    ctr_y = boxes[:, 1] + 0.5 * heights
    wx, wy, ww, wh = WEIGHTS
    d = deltas.reshape(deltas.shape[0], -1, 4)  # [N, K, 4] -> (dx, dy, dw, dh) per class
    dx = d[..., 0] / wx
    dy = d[..., 1] / wy
    dw = jnp.minimum(d[..., 2] / ww, SCALE_CLAMP)
    dh = jnp.minimum(d[..., 3] / wh, SCALE_CLAMP)
    pred_ctr_x = dx * widths[:, None] + ctr_x[:, None]
    pred_ctr_y = dy * heights[:, None] + ctr_y[:, None]
    pred_w = jnp.exp(dw) * widths[:, None]
    pred_h = jnp.exp(dh) * heights[:, None]
    x1 = pred_ctr_x - 0.5 * pred_w
    y1 = pred_ctr_y - 0.5 * pred_h
    x2 = pred_ctr_x + 0.5 * pred_w
    y2 = pred_ctr_y + 0.5 * pred_h
    return jnp.stack([x1, y1, x2, y2], axis=-1)  # [N, K, 4]


def iou_one_to_many(box, boxes):
    xx1 = jnp.maximum(box[0], boxes[:, 0])
    yy1 = jnp.maximum(box[1], boxes[:, 1])
    xx2 = jnp.minimum(box[2], boxes[:, 2])
    yy2 = jnp.minimum(box[3], boxes[:, 3])
    inter = jnp.clip(xx2 - xx1, 0.0) * jnp.clip(yy2 - yy1, 0.0)
    area1 = (box[2] - box[0]) * (box[3] - box[1])
    areas = (boxes[:, 2] - boxes[:, 0]) * (boxes[:, 3] - boxes[:, 1])
    return inter / (area1 + areas - inter + 1e-9)


def reference(proposals, class_logits, box_deltas):
    # StandardROIHeads inference tail: box2box transform -> softmax scores ->
    # score threshold -> per-class greedy NMS (class-offset trick) -> top detections.
    boxes = apply_deltas(box_deltas, proposals)  # [N, K, 4]
    scores = jax.nn.softmax(class_logits, axis=-1)[:, :NUM_CLASSES]  # drop background (last)
    scores = jnp.where(scores > SCORE_THRESH, scores, NEG)
    boxes_flat = boxes.reshape(-1, 4)  # [N*K, 4], index = n*K + k
    scores_flat = scores.reshape(-1)
    cls_ids = jnp.tile(jnp.arange(NUM_CLASSES), N)
    off_boxes = boxes_flat + (cls_ids.astype(jnp.float32) * CLASS_OFFSET)[:, None]

    def body(carry, _):
        idx = jnp.argmax(carry)
        best_score = carry[idx]
        best_box = boxes_flat[idx]
        best_off = off_boxes[idx]
        best_cls = cls_ids[idx]
        ious = iou_one_to_many(best_off, off_boxes)
        new_carry = jnp.where(ious > NMS_THRESH, NEG, carry)
        return new_carry, (best_box, best_score, best_cls)

    _, (det_boxes, det_scores, det_classes) = jax.lax.scan(body, scores_flat, None, length=DETECTIONS_PER_IMG)
    return det_boxes, det_scores, det_classes

if __name__ == "__main__":
    import jax
    _d = setup_inputs()
    print(jax.jit(kernel)(*tuple(_d.values())))

</pallas_src>

<mosaic_0001>
#map = affine_map<(d0, d1) -> (0)>
#map1 = affine_map<(d0, d1) -> (0, 0, 0)>
module attributes {stable_mosaic.version = 14 : i64} {
  func.func @_compact_body(%arg0: i32, %arg1: i32, %arg2: memref<409600xf32, #tpu.memory_space<hbm>>, %arg3: memref<6x32x128xf32, #tpu.memory_space<hbm>>, %arg4: memref<2560xf32, #tpu.memory_space<vmem>>, %arg5: memref<2560xf32, #tpu.memory_space<vmem>>, %arg6: memref<2560xf32, #tpu.memory_space<vmem>>, %arg7: memref<2560xf32, #tpu.memory_space<vmem>>, %arg8: memref<2560xf32, #tpu.memory_space<vmem>>, %arg9: memref<128xi32, #tpu.memory_space<vmem>>, %arg10: memref<128xf32, #tpu.memory_space<vmem>>, %arg11: memref<128xf32, #tpu.memory_space<vmem>>, %arg12: memref<128xf32, #tpu.memory_space<vmem>>, %arg13: memref<128xf32, #tpu.memory_space<vmem>>, %arg14: memref<128xf32, #tpu.memory_space<vmem>>, %arg15: memref<128xf32, #tpu.memory_space<vmem>>) attributes {dimension_semantics = [#tpu.dimension_semantics<core_parallel>, #tpu.dimension_semantics<subcore_parallel>], iteration_bounds = array<i64: 2, 16>, scalar_prefetch = 0 : i64, scratch_operands = 12 : i64, tpu.core_type = #tpu.core_type<sc_vector_subcore>, window_params = [{transform_indices = #map}, {transform_indices = #map1}]} {
    %mul3A = arith.constant 2 : i32
    %mul3A_0 = arith.muli %arg1, %mul3A : i32
    %add3A = arith.addi %mul3A_0, %arg0 : i32
    %mul3A_1 = arith.constant 2560 : i32
    %mul3A_2 = arith.muli %add3A, %mul3A_1 : i32
    %add3A_3 = arith.constant 0 : i32
    %add3A_4 = arith.addi %add3A_3, %mul3A_2 : i32
    "tpu.region"() ({
      %run_scoped3A_282 = tpu.sem_alloc : memref<!tpu.dma_semaphore, #tpu.memory_space<semaphore_mem>>
      %dma_start3A = tpu.memref_slice %arg2[%add3A_4] : memref<409600xf32, #tpu.memory_space<hbm>> -> memref<2560xf32, #tpu.memory_space<hbm>>
      %dma_start3A_283 = tpu.memref_slice %arg2[%add3A_4] : memref<409600xf32, #tpu.memory_space<hbm>> -> memref<2560xf32, #tpu.memory_space<hbm>>
      tpu.enqueue_dma source(%dma_start3A_283 : memref<2560xf32, #tpu.memory_space<hbm>>) target(%arg4 : memref<2560xf32, #tpu.memory_space<vmem>>) target_semaphore(%run_scoped3A_282 : memref<!tpu.dma_semaphore, #tpu.memory_space<semaphore_mem>>)
      %dma_wait3A = tpu.memref_slice %arg2[%add3A_4] : memref<409600xf32, #tpu.memory_space<hbm>> -> memref<2560xf32, #tpu.memory_space<hbm>>
      %dma_wait3A_284 = tpu.memref_slice %arg2[%add3A_4] : memref<409600xf32, #tpu.memory_space<hbm>> -> memref<2560xf32, #tpu.memory_space<hbm>>
      tpu.wait_dma2 semaphore(%run_scoped3A_282 : memref<!tpu.dma_semaphore, #tpu.memory_space<semaphore_mem>>) src(%dma_wait3A_284 : memref<2560xf32, #tpu.memory_space<hbm>>) dst(%arg4 : memref<2560xf32, #tpu.memory_space<vmem>>)
      tpu.yield
    }) : () -> ()
    %add3A_5 = arith.constant 81920 : i32
    %add3A_6 = arith.addi %add3A_5, %mul3A_2 : i32
    "tpu.region"() ({
      %run_scoped3A_282 = tpu.sem_alloc : memref<!tpu.dma_semaphore, #tpu.memory_space<semaphore_mem>>
      %dma_start3A = tpu.memref_slice %arg2[%add3A_6] : memref<409600xf32, #tpu.memory_space<hbm>> -> memref<2560xf32, #tpu.memory_space<hbm>>
      %dma_start3A_283 = tpu.memref_slice %arg2[%add3A_6] : memref<409600xf32, #tpu.memory_space<hbm>> -> memref<2560xf32, #tpu.memory_space<hbm>>
      tpu.enqueue_dma source(%dma_start3A_283 : memref<2560xf32, #tpu.memory_space<hbm>>) target(%arg5 : memref<2560xf32, #tpu.memory_space<vmem>>) target_semaphore(%run_scoped3A_282 : memref<!tpu.dma_semaphore, #tpu.memory_space<semaphore_mem>>)
      %dma_wait3A = tpu.memref_slice %arg2[%add3A_6] : memref<409600xf32, #tpu.memory_space<hbm>> -> memref<2560xf32, #tpu.memory_space<hbm>>
      %dma_wait3A_284 = tpu.memref_slice %arg2[%add3A_6] : memref<409600xf32, #tpu.memory_space<hbm>> -> memref<2560xf32, #tpu.memory_space<hbm>>
      tpu.wait_dma2 semaphore(%run_scoped3A_282 : memref<!tpu.dma_semaphore, #tpu.memory_space<semaphore_mem>>) src(%dma_wait3A_284 : memref<2560xf32, #tpu.memory_space<hbm>>) dst(%arg5 : memref<2560xf32, #tpu.memory_space<vmem>>)
      tpu.yield
    }) : () -> ()
    %add3A_7 = arith.constant 163840 : i32
    %add3A_8 = arith.addi %add3A_7, %mul3A_2 : i32
    "tpu.region"() ({
      %run_scoped3A_282 = tpu.sem_alloc : memref<!tpu.dma_semaphore, #tpu.memory_space<semaphore_mem>>
      %dma_start3A = tpu.memref_slice %arg2[%add3A_8] : memref<409600xf32, #tpu.memory_space<hbm>> -> memref<2560xf32, #tpu.memory_space<hbm>>
      %dma_start3A_283 = tpu.memref_slice %arg2[%add3A_8] : memref<409600xf32, #tpu.memory_space<hbm>> -> memref<2560xf32, #tpu.memory_space<hbm>>
      tpu.enqueue_dma source(%dma_start3A_283 : memref<2560xf32, #tpu.memory_space<hbm>>) target(%arg6 : memref<2560xf32, #tpu.memory_space<vmem>>) target_semaphore(%run_scoped3A_282 : memref<!tpu.dma_semaphore, #tpu.memory_space<semaphore_mem>>)
      %dma_wait3A = tpu.memref_slice %arg2[%add3A_8] : memref<409600xf32, #tpu.memory_space<hbm>> -> memref<2560xf32, #tpu.memory_space<hbm>>
      %dma_wait3A_284 = tpu.memref_slice %arg2[%add3A_8] : memref<409600xf32, #tpu.memory_space<hbm>> -> memref<2560xf32, #tpu.memory_space<hbm>>
      tpu.wait_dma2 semaphore(%run_scoped3A_282 : memref<!tpu.dma_semaphore, #tpu.memory_space<semaphore_mem>>) src(%dma_wait3A_284 : memref<2560xf32, #tpu.memory_space<hbm>>) dst(%arg6 : memref<2560xf32, #tpu.memory_space<vmem>>)
      tpu.yield
    }) : () -> ()
    %add3A_9 = arith.constant 245760 : i32
    %add3A_10 = arith.addi %add3A_9, %mul3A_2 : i32
    "tpu.region"() ({
      %run_scoped3A_282 = tpu.sem_alloc : memref<!tpu.dma_semaphore, #tpu.memory_space<semaphore_mem>>
      %dma_start3A = tpu.memref_slice %arg2[%add3A_10] : memref<409600xf32, #tpu.memory_space<hbm>> -> memref<2560xf32, #tpu.memory_space<hbm>>
      %dma_start3A_283 = tpu.memref_slice %arg2[%add3A_10] : memref<409600xf32, #tpu.memory_space<hbm>> -> memref<2560xf32, #tpu.memory_space<hbm>>
      tpu.enqueue_dma source(%dma_start3A_283 : memref<2560xf32, #tpu.memory_space<hbm>>) target(%arg7 : memref<2560xf32, #tpu.memory_space<vmem>>) target_semaphore(%run_scoped3A_282 : memref<!tpu.dma_semaphore, #tpu.memory_space<semaphore_mem>>)
      %dma_wait3A = tpu.memref_slice %arg2[%add3A_10] : memref<409600xf32, #tpu.memory_space<hbm>> -> memref<2560xf32, #tpu.memory_space<hbm>>
      %dma_wait3A_284 = tpu.memref_slice %arg2[%add3A_10] : memref<409600xf32, #tpu.memory_space<hbm>> -> memref<2560xf32, #tpu.memory_space<hbm>>
      tpu.wait_dma2 semaphore(%run_scoped3A_282 : memref<!tpu.dma_semaphore, #tpu.memory_space<semaphore_mem>>) src(%dma_wait3A_284 : memref<2560xf32, #tpu.memory_space<hbm>>) dst(%arg7 : memref<2560xf32, #tpu.memory_space<vmem>>)
      tpu.yield
    }) : () -> ()
    %add3A_11 = arith.constant 327680 : i32
    %add3A_12 = arith.addi %add3A_11, %mul3A_2 : i32
    "tpu.region"() ({
      %run_scoped3A_282 = tpu.sem_alloc : memref<!tpu.dma_semaphore, #tpu.memory_space<semaphore_mem>>
      %dma_start3A = tpu.memref_slice %arg2[%add3A_12] : memref<409600xf32, #tpu.memory_space<hbm>> -> memref<2560xf32, #tpu.memory_space<hbm>>
      %dma_start3A_283 = tpu.memref_slice %arg2[%add3A_12] : memref<409600xf32, #tpu.memory_space<hbm>> -> memref<2560xf32, #tpu.memory_space<hbm>>
      tpu.enqueue_dma source(%dma_start3A_283 : memref<2560xf32, #tpu.memory_space<hbm>>) target(%arg8 : memref<2560xf32, #tpu.memory_space<vmem>>) target_semaphore(%run_scoped3A_282 : memref<!tpu.dma_semaphore, #tpu.memory_space<semaphore_mem>>)
      %dma_wait3A = tpu.memref_slice %arg2[%add3A_12] : memref<409600xf32, #tpu.memory_space<hbm>> -> memref<2560xf32, #tpu.memory_space<hbm>>
      %dma_wait3A_284 = tpu.memref_slice %arg2[%add3A_12] : memref<409600xf32, #tpu.memory_space<hbm>> -> memref<2560xf32, #tpu.memory_space<hbm>>
      tpu.wait_dma2 semaphore(%run_scoped3A_282 : memref<!tpu.dma_semaphore, #tpu.memory_space<semaphore_mem>>) src(%dma_wait3A_284 : memref<2560xf32, #tpu.memory_space<hbm>>) dst(%arg8 : memref<2560xf32, #tpu.memory_space<vmem>>)
      tpu.yield
    }) : () -> ()
    %broadcast_in_dim3A = arith.constant 0 : i32
    %broadcast_in_dim3A_13 = vector.broadcast %broadcast_in_dim3A : i32 to vector<16xi32>
    %swap3A = arith.constant 0 : index
    %swap3A_14 = tpu.vector_load %arg9[%swap3A] {strides = array<i32>} : memref<128xi32, #tpu.memory_space<vmem>>, vector<16xi32>,
    tpu.vector_store %arg9[%swap3A], %broadcast_in_dim3A_13 {strides = array<i32>} : memref<128xi32, #tpu.memory_space<vmem>>, vector<16xi32>,
    %swap3A_15 = arith.constant 16 : index
    %swap3A_16 = tpu.vector_load %arg9[%swap3A_15] {strides = array<i32>} : memref<128xi32, #tpu.memory_space<vmem>>, vector<16xi32>,
    tpu.vector_store %arg9[%swap3A_15], %broadcast_in_dim3A_13 {strides = array<i32>} : memref<128xi32, #tpu.memory_space<vmem>>, vector<16xi32>,
    %swap3A_17 = arith.constant 32 : index
    %swap3A_18 = tpu.vector_load %arg9[%swap3A_17] {strides = array<i32>} : memref<128xi32, #tpu.memory_space<vmem>>, vector<16xi32>,
    tpu.vector_store %arg9[%swap3A_17], %broadcast_in_dim3A_13 {strides = array<i32>} : memref<128xi32, #tpu.memory_space<vmem>>, vector<16xi32>,
    %swap3A_19 = arith.constant 48 : index
    %swap3A_20 = tpu.vector_load %arg9[%swap3A_19] {strides = array<i32>} : memref<128xi32, #tpu.memory_space<vmem>>, vector<16xi32>,
    tpu.vector_store %arg9[%swap3A_19], %broadcast_in_dim3A_13 {strides = array<i32>} : memref<128xi32, #tpu.memory_space<vmem>>, vector<16xi32>,
    %swap3A_21 = arith.constant 64 : index
    %swap3A_22 = tpu.vector_load %arg9[%swap3A_21] {strides = array<i32>} : memref<128xi32, #tpu.memory_space<vmem>>, vector<16xi32>,
    tpu.vector_store %arg9[%swap3A_21], %broadcast_in_dim3A_13 {strides = array<i32>} : memref<128xi32, #tpu.memory_space<vmem>>, vector<16xi32>,
    %swap3A_23 = arith.constant 80 : index
    %swap3A_24 = tpu.vector_load %arg9[%swap3A_23] {strides = array<i32>} : memref<128xi32, #tpu.memory_space<vmem>>, vector<16xi32>,
    tpu.vector_store %arg9[%swap3A_23], %broadcast_in_dim3A_13 {strides = array<i32>} : memref<128xi32, #tpu.memory_space<vmem>>, vector<16xi32>,
    %swap3A_25 = arith.constant 96 : index
    %swap3A_26 = tpu.vector_load %arg9[%swap3A_25] {strides = array<i32>} : memref<128xi32, #tpu.memory_space<vmem>>, vector<16xi32>,
    tpu.vector_store %arg9[%swap3A_25], %broadcast_in_dim3A_13 {strides = array<i32>} : memref<128xi32, #tpu.memory_space<vmem>>, vector<16xi32>,
    %swap3A_27 = arith.constant 112 : index
    %swap3A_28 = tpu.vector_load %arg9[%swap3A_27] {strides = array<i32>} : memref<128xi32, #tpu.memory_space<vmem>>, vector<16xi32>,
    tpu.vector_store %arg9[%swap3A_27], %broadcast_in_dim3A_13 {strides = array<i32>} : memref<128xi32, #tpu.memory_space<vmem>>, vector<16xi32>,
    %iota3A = tpu.iota {dimensions = array<i32: 0>} : vector<16xi32>
    %broadcast_in_dim3A_29 = arith.constant 0 : i32
    %broadcast_in_dim3A_30 = vector.broadcast %broadcast_in_dim3A_29 : i32 to vector<16xi32>
    %eq3A = arith.constant 0 : i32
    %eq3A_31 = arith.cmpi eq, %add3A, %eq3A : i32
    %jit3A = arith.constant 1 : i32
    %jit3A_32 = arith.constant 0 : i32
    %select_n3A = arith.select %eq3A_31, %jit3A, %jit3A_32 : i32
    %add3A_33 = vector.broadcast %select_n3A : i32 to vector<16xi32>
    %add3A_34 = arith.addi %broadcast_in_dim3A_30, %add3A_33 : vector<16xi32>
    %scan3A = arith.constant 0 : i32
    %scan3A_35 = arith.constant 40 : i32
    %scan3A_36 = arith.addi %scan3A, %scan3A_35 : i32
    %scan3A_37 = arith.constant 1 : i32
    %scan3A_38 = scf.for %scan3A_282 = %scan3A to %scan3A_36 step %scan3A_37 iter_args(%scan3A_283 = %add3A_34) -> (vector<16xi32>)  : i32 {
      %mul3A_284 = arith.constant 64 : i32
      %mul3A_285 = arith.muli %scan3A_282, %mul3A_284 : i32
      %add3A_286 = arith.constant 0 : i32
      %add3A_287 = arith.addi %mul3A_285, %add3A_286 : i32
      %get3A_288 = arith.index_cast %add3A_287 : i32 to index
      %get3A_289 = tpu.vector_load %arg4[%get3A_288] {strides = array<i32>} : memref<2560xf32, #tpu.memory_space<vmem>>, vector<16xf32>,
      %gt3A = arith.constant 5.000000e-02 : f32
      %gt3A_290 = vector.broadcast %gt3A : f32 to vector<16xf32>
      %gt3A_291 = arith.cmpf ogt, %get3A_289, %gt3A_290 : vector<16xf32>
      %jit3A_292 = arith.constant 1 : i32
      %jit3A_293 = arith.constant 0 : i32
      %broadcast_in_dim3A_294 = vector.broadcast %jit3A_292 : i32 to vector<16xi32>
      %broadcast_in_dim3A_295 = vector.broadcast %jit3A_293 : i32 to vector<16xi32>
      %select_n3A_296 = arith.select %gt3A_291, %broadcast_in_dim3A_294, %broadcast_in_dim3A_295 : vector<16xi1>, vector<16xi32>
      %broadcast_in_dim3A_297 = arith.constant true
      %broadcast_in_dim3A_298 = vector.broadcast %broadcast_in_dim3A_297 : i1 to vector<16xi1>
      %masked_cumsum3A = tpu.scan <sum>, %select_n3A_296 masked %broadcast_in_dim3A_298 : vector<16xi32>, vector<16xi1> -> vector<16xi32>
      %add3A_299 = arith.addi %scan3A_283, %masked_cumsum3A : vector<16xi32>
      %sub3A = arith.constant 1 : i32
      %sub3A_300 = vector.broadcast %sub3A : i32 to vector<16xi32>
      %sub3A_301 = arith.subi %add3A_299, %sub3A_300 : vector<16xi32>
      %lt3A_302 = arith.constant 128 : i32
      %lt3A_303 = vector.broadcast %lt3A_302 : i32 to vector<16xi32>
      %lt3A_304 = arith.cmpi slt, %sub3A_301, %lt3A_303 : vector<16xi32>
      %and3A_305 = arith.andi %gt3A_291, %lt3A_304 : vector<16xi1>
      %add3A_306 = arith.constant 0 : i32
      %add3A_307 = arith.addi %mul3A_285, %add3A_306 : i32
      %add3A_308 = vector.broadcast %add3A_307 : i32 to vector<16xi32>
      %add3A_309 = arith.addi %iota3A, %add3A_308 : vector<16xi32>
      tpu.vector_store_idx %arg9[%sub3A_301], %add3A_309 masked %and3A_305 : memref<128xi32, #tpu.memory_space<vmem>>[vector<16xi32>], vector<16xi32>, vector<16xi1>
      %all_reduce_population_count3A = tpu.all_reduce %and3A_305 {dim = 0 : i64, kind = #tpu.reduction_kind<sum>} : vector<16xi1> -> vector<16xi32>
      %add3A_310 = arith.addi %scan3A_283, %all_reduce_population_count3A : vector<16xi32>
      %add3A_311 = arith.constant 16 : i32
      %add3A_312 = arith.addi %mul3A_285, %add3A_311 : i32
      %get3A_313 = arith.index_cast %add3A_312 : i32 to index
      %get3A_314 = tpu.vector_load %arg4[%get3A_313] {strides = array<i32>} : memref<2560xf32, #tpu.memory_space<vmem>>, vector<16xf32>,
      %gt3A_315 = arith.constant 5.000000e-02 : f32
      %gt3A_316 = vector.broadcast %gt3A_315 : f32 to vector<16xf32>
      %gt3A_317 = arith.cmpf ogt, %get3A_314, %gt3A_316 : vector<16xf32>
      %jit3A_318 = arith.constant 1 : i32
      %jit3A_319 = arith.constant 0 : i32
      %broadcast_in_dim3A_320 = vector.broadcast %jit3A_318 : i32 to vector<16xi32>
      %broadcast_in_dim3A_321 = vector.broadcast %jit3A_319 : i32 to vector<16xi32>
      %select_n3A_322 = arith.select %gt3A_317, %broadcast_in_dim3A_320, %broadcast_in_dim3A_321 : vector<16xi1>, vector<16xi32>
      %broadcast_in_dim3A_323 = arith.constant true
      %broadcast_in_dim3A_324 = vector.broadcast %broadcast_in_dim3A_323 : i1 to vector<16xi1>
      %masked_cumsum3A_325 = tpu.scan <sum>, %select_n3A_322 masked %broadcast_in_dim3A_324 : vector<16xi32>, vector<16xi1> -> vector<16xi32>
      %add3A_326 = arith.addi %add3A_310, %masked_cumsum3A_325 : vector<16xi32>
      %sub3A_327 = arith.constant 1 : i32
      %sub3A_328 = vector.broadcast %sub3A_327 : i32 to vector<16xi32>
      %sub3A_329 = arith.subi %add3A_326, %sub3A_328 : vector<16xi32>
      %lt3A_330 = arith.constant 128 : i32
      %lt3A_331 = vector.broadcast %lt3A_330 : i32 to vector<16xi32>
      %lt3A_332 = arith.cmpi slt, %sub3A_329, %lt3A_331 : vector<16xi32>
      %and3A_333 = arith.andi %gt3A_317, %lt3A_332 : vector<16xi1>
      %add3A_334 = arith.constant 16 : i32
      %add3A_335 = arith.addi %mul3A_285, %add3A_334 : i32
      %add3A_336 = vector.broadcast %add3A_335 : i32 to vector<16xi32>
      %add3A_337 = arith.addi %iota3A, %add3A_336 : vector<16xi32>
      tpu.vector_store_idx %arg9[%sub3A_329], %add3A_337 masked %and3A_333 : memref<128xi32, #tpu.memory_space<vmem>>[vector<16xi32>], vector<16xi32>, vector<16xi1>
      %all_reduce_population_count3A_338 = tpu.all_reduce %and3A_333 {dim = 0 : i64, kind = #tpu.reduction_kind<sum>} : vector<16xi1> -> vector<16xi32>
      %add3A_339 = arith.addi %add3A_310, %all_reduce_population_count3A_338 : vector<16xi32>
      %add3A_340 = arith.constant 32 : i32
      %add3A_341 = arith.addi %mul3A_285, %add3A_340 : i32
      %get3A_342 = arith.index_cast %add3A_341 : i32 to index
      %get3A_343 = tpu.vector_load %arg4[%get3A_342] {strides = array<i32>} : memref<2560xf32, #tpu.memory_space<vmem>>, vector<16xf32>,
      %gt3A_344 = arith.constant 5.000000e-02 : f32
      %gt3A_345 = vector.broadcast %gt3A_344 : f32 to vector<16xf32>
      %gt3A_346 = arith.cmpf ogt, %get3A_343, %gt3A_345 : vector<16xf32>
      %jit3A_347 = arith.constant 1 : i32
      %jit3A_348 = arith.constant 0 : i32
      %broadcast_in_dim3A_349 = vector.broadcast %jit3A_347 : i32 to vector<16xi32>
      %broadcast_in_dim3A_350 = vector.broadcast %jit3A_348 : i32 to vector<16xi32>
      %select_n3A_351 = arith.select %gt3A_346, %broadcast_in_dim3A_349, %broadcast_in_dim3A_350 : vector<16xi1>, vector<16xi32>
      %broadcast_in_dim3A_352 = arith.constant true
      %broadcast_in_dim3A_353 = vector.broadcast %broadcast_in_dim3A_352 : i1 to vector<16xi1>
      %masked_cumsum3A_354 = tpu.scan <sum>, %select_n3A_351 masked %broadcast_in_dim3A_353 : vector<16xi32>, vector<16xi1> -> vector<16xi32>
      %add3A_355 = arith.addi %add3A_339, %masked_cumsum3A_354 : vector<16xi32>
      %sub3A_356 = arith.constant 1 : i32
      %sub3A_357 = vector.broadcast %sub3A_356 : i32 to vector<16xi32>
      %sub3A_358 = arith.subi %add3A_355, %sub3A_357 : vector<16xi32>
      %lt3A_359 = arith.constant 128 : i32
      %lt3A_360 = vector.broadcast %lt3A_359 : i32 to vector<16xi32>
      %lt3A_361 = arith.cmpi slt, %sub3A_358, %lt3A_360 : vector<16xi32>
      %and3A_362 = arith.andi %gt3A_346, %lt3A_361 : vector<16xi1>
      %add3A_363 = arith.constant 32 : i32
      %add3A_364 = arith.addi %mul3A_285, %add3A_363 : i32
      %add3A_365 = vector.broadcast %add3A_364 : i32 to vector<16xi32>
      %add3A_366 = arith.addi %iota3A, %add3A_365 : vector<16xi32>
      tpu.vector_store_idx %arg9[%sub3A_358], %add3A_366 masked %and3A_362 : memref<128xi32, #tpu.memory_space<vmem>>[vector<16xi32>], vector<16xi32>, vector<16xi1>
      %all_reduce_population_count3A_367 = tpu.all_reduce %and3A_362 {dim = 0 : i64, kind = #tpu.reduction_kind<sum>} : vector<16xi1> -> vector<16xi32>
      %add3A_368 = arith.addi %add3A_339, %all_reduce_population_count3A_367 : vector<16xi32>
      %add3A_369 = arith.constant 48 : i32
      %add3A_370 = arith.addi %mul3A_285, %add3A_369 : i32
      %get3A_371 = arith.index_cast %add3A_370 : i32 to index
      %get3A_372 = tpu.vector_load %arg4[%get3A_371] {strides = array<i32>} : memref<2560xf32, #tpu.memory_space<vmem>>, vector<16xf32>,
      %gt3A_373 = arith.constant 5.000000e-02 : f32
      %gt3A_374 = vector.broadcast %gt3A_373 : f32 to vector<16xf32>
      %gt3A_375 = arith.cmpf ogt, %get3A_372, %gt3A_374 : vector<16xf32>
      %jit3A_376 = arith.constant 1 : i32
      %jit3A_377 = arith.constant 0 : i32
      %broadcast_in_dim3A_378 = vector.broadcast %jit3A_376 : i32 to vector<16xi32>
      %broadcast_in_dim3A_379 = vector.broadcast %jit3A_377 : i32 to vector<16xi32>
      %select_n3A_380 = arith.select %gt3A_375, %broadcast_in_dim3A_378, %broadcast_in_dim3A_379 : vector<16xi1>, vector<16xi32>
      %broadcast_in_dim3A_381 = arith.constant true
      %broadcast_in_dim3A_382 = vector.broadcast %broadcast_in_dim3A_381 : i1 to vector<16xi1>
      %masked_cumsum3A_383 = tpu.scan <sum>, %select_n3A_380 masked %broadcast_in_dim3A_382 : vector<16xi32>, vector<16xi1> -> vector<16xi32>
      %add3A_384 = arith.addi %add3A_368, %masked_cumsum3A_383 : vector<16xi32>
      %sub3A_385 = arith.constant 1 : i32
      %sub3A_386 = vector.broadcast %sub3A_385 : i32 to vector<16xi32>
      %sub3A_387 = arith.subi %add3A_384, %sub3A_386 : vector<16xi32>
      %lt3A_388 = arith.constant 128 : i32
      %lt3A_389 = vector.broadcast %lt3A_388 : i32 to vector<16xi32>
      %lt3A_390 = arith.cmpi slt, %sub3A_387, %lt3A_389 : vector<16xi32>
      %and3A_391 = arith.andi %gt3A_375, %lt3A_390 : vector<16xi1>
      %add3A_392 = arith.constant 48 : i32
      %add3A_393 = arith.addi %mul3A_285, %add3A_392 : i32
      %add3A_394 = vector.broadcast %add3A_393 : i32 to vector<16xi32>
      %add3A_395 = arith.addi %iota3A, %add3A_394 : vector<16xi32>
      tpu.vector_store_idx %arg9[%sub3A_387], %add3A_395 masked %and3A_391 : memref<128xi32, #tpu.memory_space<vmem>>[vector<16xi32>], vector<16xi32>, vector<16xi1>
      %all_reduce_population_count3A_396 = tpu.all_reduce %and3A_391 {dim = 0 : i64, kind = #tpu.reduction_kind<sum>} : vector<16xi1> -> vector<16xi32>
      %add3A_397 = arith.addi %add3A_368, %all_reduce_population_count3A_396 : vector<16xi32>
      scf.yield %add3A_397 : vector<16xi32>
    }
    %scan3A_39 = arith.constant 40 : i32
    %eq3A_40 = arith.constant 0 : i32
    %eq3A_41 = arith.cmpi eq, %add3A, %eq3A_40 : i32
    %get3A = arith.constant 0 : index
    %get3A_42 = tpu.vector_load %arg9[%get3A] {strides = array<i32>} : memref<128xi32, #tpu.memory_space<vmem>>, vector<16xi32>,
    %gather3A = tpu.vector_load_idx %arg5[%get3A_42] : memref<2560xf32, #tpu.memory_space<vmem>>[vector<16xi32>], vector<16xf32>,
    %gather3A_43 = tpu.vector_load_idx %arg6[%get3A_42] : memref<2560xf32, #tpu.memory_space<vmem>>[vector<16xi32>], vector<16xf32>,
    %gather3A_44 = tpu.vector_load_idx %arg7[%get3A_42] : memref<2560xf32, #tpu.memory_space<vmem>>[vector<16xi32>], vector<16xf32>,
    %gather3A_45 = tpu.vector_load_idx %arg8[%get3A_42] : memref<2560xf32, #tpu.memory_space<vmem>>[vector<16xi32>], vector<16xf32>,
    %gather3A_46 = tpu.vector_load_idx %arg4[%get3A_42] : memref<2560xf32, #tpu.memory_space<vmem>>[vector<16xi32>], vector<16xf32>,
    %add3A_47 = arith.constant 0 : i32
    %add3A_48 = vector.broadcast %add3A_47 : i32 to vector<16xi32>
    %add3A_49 = arith.addi %iota3A, %add3A_48 : vector<16xi32>
    %lt3A = arith.cmpi slt, %add3A_49, %scan3A_38 : vector<16xi32>
    %jit3A_50 = arith.constant -1.000000e+09 : f32
    %broadcast_in_dim3A_51 = vector.broadcast %jit3A_50 : f32 to vector<16xf32>
    %select_n3A_52 = arith.select %lt3A, %gather3A_46, %broadcast_in_dim3A_51 : vector<16xi1>, vector<16xf32>
    %eq3A_53 = arith.constant 0 : i32
    %eq3A_54 = vector.broadcast %eq3A_53 : i32 to vector<16xi32>
    %eq3A_55 = arith.cmpi eq, %iota3A, %eq3A_54 : vector<16xi32>
    %and3A = vector.broadcast %eq3A_41 : i1 to vector<16xi1>
    %and3A_56 = arith.andi %and3A, %eq3A_55 : vector<16xi1>
    %jit3A_57 = arith.constant -1.000000e+09 : f32
    %broadcast_in_dim3A_58 = vector.broadcast %jit3A_57 : f32 to vector<16xf32>
    %select_n3A_59 = arith.select %and3A_56, %broadcast_in_dim3A_58, %select_n3A_52 : vector<16xi1>, vector<16xf32>
    %swap3A_60 = arith.constant 0 : index
    %swap3A_61 = tpu.vector_load %arg10[%swap3A_60] {strides = array<i32>} : memref<128xf32, #tpu.memory_space<vmem>>, vector<16xf32>,
    tpu.vector_store %arg10[%swap3A_60], %select_n3A_59 {strides = array<i32>} : memref<128xf32, #tpu.memory_space<vmem>>, vector<16xf32>,
    %swap3A_62 = arith.constant 0 : index
    %swap3A_63 = tpu.vector_load %arg11[%swap3A_62] {strides = array<i32>} : memref<128xf32, #tpu.memory_space<vmem>>, vector<16xf32>,
    tpu.vector_store %arg11[%swap3A_62], %gather3A {strides = array<i32>} : memref<128xf32, #tpu.memory_space<vmem>>, vector<16xf32>,
    %swap3A_64 = arith.constant 0 : index
    %swap3A_65 = tpu.vector_load %arg12[%swap3A_64] {strides = array<i32>} : memref<128xf32, #tpu.memory_space<vmem>>, vector<16xf32>,
    tpu.vector_store %arg12[%swap3A_64], %gather3A_43 {strides = array<i32>} : memref<128xf32, #tpu.memory_space<vmem>>, vector<16xf32>,
    %swap3A_66 = arith.constant 0 : index
    %swap3A_67 = tpu.vector_load %arg13[%swap3A_66] {strides = array<i32>} : memref<128xf32, #tpu.memory_space<vmem>>, vector<16xf32>,
    tpu.vector_store %arg13[%swap3A_66], %gather3A_44 {strides = array<i32>} : memref<128xf32, #tpu.memory_space<vmem>>, vector<16xf32>,
    %swap3A_68 = arith.constant 0 : index
    %swap3A_69 = tpu.vector_load %arg14[%swap3A_68] {strides = array<i32>} : memref<128xf32, #tpu.memory_space<vmem>>, vector<16xf32>,
    tpu.vector_store %arg14[%swap3A_68], %gather3A_45 {strides = array<i32>} : memref<128xf32, #tpu.memory_space<vmem>>, vector<16xf32>,
    %add3A_70 = vector.broadcast %mul3A_2 : i32 to vector<16xi32>
    %add3A_71 = arith.addi %get3A_42, %add3A_70 : vector<16xi32>
    %convert_element_type3A = arith.sitofp %add3A_71 : vector<16xi32> to vector<16xf32>
    %swap3A_72 = arith.constant 0 : index
    %swap3A_73 = tpu.vector_load %arg15[%swap3A_72] {strides = array<i32>} : memref<128xf32, #tpu.memory_space<vmem>>, vector<16xf32>,
    tpu.vector_store %arg15[%swap3A_72], %convert_element_type3A {strides = array<i32>} : memref<128xf32, #tpu.memory_space<vmem>>, vector<16xf32>,
    %get3A_74 = arith.constant 16 : index
    %get3A_75 = tpu.vector_load %arg9[%get3A_74] {strides = array<i32>} : memref<128xi32, #tpu.memory_space<vmem>>, vector<16xi32>,
    %gather3A_76 = tpu.vector_load_idx %arg5[%get3A_75] : memref<2560xf32, #tpu.memory_space<vmem>>[vector<16xi32>], vector<16xf32>,
    %gather3A_77 = tpu.vector_load_idx %arg6[%get3A_75] : memref<2560xf32, #tpu.memory_space<vmem>>[vector<16xi32>], vector<16xf32>,
    %gather3A_78 = tpu.vector_load_idx %arg7[%get3A_75] : memref<2560xf32, #tpu.memory_space<vmem>>[vector<16xi32>], vector<16xf32>,
    %gather3A_79 = tpu.vector_load_idx %arg8[%get3A_75] : memref<2560xf32, #tpu.memory_space<vmem>>[vector<16xi32>], vector<16xf32>,
    %gather3A_80 = tpu.vector_load_idx %arg4[%get3A_75] : memref<2560xf32, #tpu.memory_space<vmem>>[vector<16xi32>], vector<16xf32>,
    %add3A_81 = arith.constant 16 : i32
    %add3A_82 = vector.broadcast %add3A_81 : i32 to vector<16xi32>
    %add3A_83 = arith.addi %iota3A, %add3A_82 : vector<16xi32>
    %lt3A_84 = arith.cmpi slt, %add3A_83, %scan3A_38 : vector<16xi32>
    %jit3A_85 = arith.constant -1.000000e+09 : f32
    %broadcast_in_dim3A_86 = vector.broadcast %jit3A_85 : f32 to vector<16xf32>
    %select_n3A_87 = arith.select %lt3A_84, %gather3A_80, %broadcast_in_dim3A_86 : vector<16xi1>, vector<16xf32>
    %swap3A_88 = arith.constant 16 : index
    %swap3A_89 = tpu.vector_load %arg10[%swap3A_88] {strides = array<i32>} : memref<128xf32, #tpu.memory_space<vmem>>, vector<16xf32>,
    tpu.vector_store %arg10[%swap3A_88], %select_n3A_87 {strides = array<i32>} : memref<128xf32, #tpu.memory_space<vmem>>, vector<16xf32>,
    %swap3A_90 = arith.constant 16 : index
    %swap3A_91 = tpu.vector_load %arg11[%swap3A_90] {strides = array<i32>} : memref<128xf32, #tpu.memory_space<vmem>>, vector<16xf32>,
    tpu.vector_store %arg11[%swap3A_90], %gather3A_76 {strides = array<i32>} : memref<128xf32, #tpu.memory_space<vmem>>, vector<16xf32>,
    %swap3A_92 = arith.constant 16 : index
    %swap3A_93 = tpu.vector_load %arg12[%swap3A_92] {strides = array<i32>} : memref<128xf32, #tpu.memory_space<vmem>>, vector<16xf32>,
    tpu.vector_store %arg12[%swap3A_92], %gather3A_77 {strides = array<i32>} : memref<128xf32, #tpu.memory_space<vmem>>, vector<16xf32>,
    %swap3A_94 = arith.constant 16 : index
    %swap3A_95 = tpu.vector_load %arg13[%swap3A_94] {strides = array<i32>} : memref<128xf32, #tpu.memory_space<vmem>>, vector<16xf32>,
    tpu.vector_store %arg13[%swap3A_94], %gather3A_78 {strides = array<i32>} : memref<128xf32, #tpu.memory_space<vmem>>, vector<16xf32>,
    %swap3A_96 = arith.constant 16 : index
    %swap3A_97 = tpu.vector_load %arg14[%swap3A_96] {strides = array<i32>} : memref<128xf32, #tpu.memory_space<vmem>>, vector<16xf32>,
    tpu.vector_store %arg14[%swap3A_96], %gather3A_79 {strides = array<i32>} : memref<128xf32, #tpu.memory_space<vmem>>, vector<16xf32>,
    %add3A_98 = vector.broadcast %mul3A_2 : i32 to vector<16xi32>
    %add3A_99 = arith.addi %get3A_75, %add3A_98 : vector<16xi32>
    %convert_element_type3A_100 = arith.sitofp %add3A_99 : vector<16xi32> to vector<16xf32>
    %swap3A_101 = arith.constant 16 : index
    %swap3A_102 = tpu.vector_load %arg15[%swap3A_101] {strides = array<i32>} : memref<128xf32, #tpu.memory_space<vmem>>, vector<16xf32>,
    tpu.vector_store %arg15[%swap3A_101], %convert_element_type3A_100 {strides = array<i32>} : memref<128xf32, #tpu.memory_space<vmem>>, vector<16xf32>,
    %get3A_103 = arith.constant 32 : index
    %get3A_104 = tpu.vector_load %arg9[%get3A_103] {strides = array<i32>} : memref<128xi32, #tpu.memory_space<vmem>>, vector<16xi32>,
    %gather3A_105 = tpu.vector_load_idx %arg5[%get3A_104] : memref<2560xf32, #tpu.memory_space<vmem>>[vector<16xi32>], vector<16xf32>,
    %gather3A_106 = tpu.vector_load_idx %arg6[%get3A_104] : memref<2560xf32, #tpu.memory_space<vmem>>[vector<16xi32>], vector<16xf32>,
    %gather3A_107 = tpu.vector_load_idx %arg7[%get3A_104] : memref<2560xf32, #tpu.memory_space<vmem>>[vector<16xi32>], vector<16xf32>,
    %gather3A_108 = tpu.vector_load_idx %arg8[%get3A_104] : memref<2560xf32, #tpu.memory_space<vmem>>[vector<16xi32>], vector<16xf32>,
    %gather3A_109 = tpu.vector_load_idx %arg4[%get3A_104] : memref<2560xf32, #tpu.memory_space<vmem>>[vector<16xi32>], vector<16xf32>,
    %add3A_110 = arith.constant 32 : i32
    %add3A_111 = vector.broadcast %add3A_110 : i32 to vector<16xi32>
    %add3A_112 = arith.addi %iota3A, %add3A_111 : vector<16xi32>
    %lt3A_113 = arith.cmpi slt, %add3A_112, %scan3A_38 : vector<16xi32>
    %jit3A_114 = arith.constant -1.000000e+09 : f32
    %broadcast_in_dim3A_115 = vector.broadcast %jit3A_114 : f32 to vector<16xf32>
    %select_n3A_116 = arith.select %lt3A_113, %gather3A_109, %broadcast_in_dim3A_115 : vector<16xi1>, vector<16xf32>
    %swap3A_117 = arith.constant 32 : index
    %swap3A_118 = tpu.vector_load %arg10[%swap3A_117] {strides = array<i32>} : memref<128xf32, #tpu.memory_space<vmem>>, vector<16xf32>,
    tpu.vector_store %arg10[%swap3A_117], %select_n3A_116 {strides = array<i32>} : memref<128xf32, #tpu.memory_space<vmem>>, vector<16xf32>,
    %swap3A_119 = arith.constant 32 : index
    %swap3A_120 = tpu.vector_load %arg11[%swap3A_119] {strides = array<i32>} : memref<128xf32, #tpu.memory_space<vmem>>, vector<16xf32>,
    tpu.vector_store %arg11[%swap3A_119], %gather3A_105 {strides = array<i32>} : memref<128xf32, #tpu.memory_space<vmem>>, vector<16xf32>,
    %swap3A_121 = arith.constant 32 : index
    %swap3A_122 = tpu.vector_load %arg12[%swap3A_121] {strides = array<i32>} : memref<128xf32, #tpu.memory_space<vmem>>, vector<16xf32>,
    tpu.vector_store %arg12[%swap3A_121], %gather3A_106 {strides = array<i32>} : memref<128xf32, #tpu.memory_space<vmem>>, vector<16xf32>,
    %swap3A_123 = arith.constant 32 : index
    %swap3A_124 = tpu.vector_load %arg13[%swap3A_123] {strides = array<i32>} : memref<128xf32, #tpu.memory_space<vmem>>, vector<16xf32>,
    tpu.vector_store %arg13[%swap3A_123], %gather3A_107 {strides = array<i32>} : memref<128xf32, #tpu.memory_space<vmem>>, vector<16xf32>,
    %swap3A_125 = arith.constant 32 : index
    %swap3A_126 = tpu.vector_load %arg14[%swap3A_125] {strides = array<i32>} : memref<128xf32, #tpu.memory_space<vmem>>, vector<16xf32>,
    tpu.vector_store %arg14[%swap3A_125], %gather3A_108 {strides = array<i32>} : memref<128xf32, #tpu.memory_space<vmem>>, vector<16xf32>,
    %add3A_127 = vector.broadcast %mul3A_2 : i32 to vector<16xi32>
    %add3A_128 = arith.addi %get3A_104, %add3A_127 : vector<16xi32>
    %convert_element_type3A_129 = arith.sitofp %add3A_128 : vector<16xi32> to vector<16xf32>
    %swap3A_130 = arith.constant 32 : index
    %swap3A_131 = tpu.vector_load %arg15[%swap3A_130] {strides = array<i32>} : memref<128xf32, #tpu.memory_space<vmem>>, vector<16xf32>,
    tpu.vector_store %arg15[%swap3A_130], %convert_element_type3A_129 {strides = array<i32>} : memref<128xf32, #tpu.memory_space<vmem>>, vector<16xf32>,
    %get3A_132 = arith.constant 48 : index
    %get3A_133 = tpu.vector_load %arg9[%get3A_132] {strides = array<i32>} : memref<128xi32, #tpu.memory_space<vmem>>, vector<16xi32>,
    %gather3A_134 = tpu.vector_load_idx %arg5[%get3A_133] : memref<2560xf32, #tpu.memory_space<vmem>>[vector<16xi32>], vector<16xf32>,
    %gather3A_135 = tpu.vector_load_idx %arg6[%get3A_133] : memref<2560xf32, #tpu.memory_space<vmem>>[vector<16xi32>], vector<16xf32>,
    %gather3A_136 = tpu.vector_load_idx %arg7[%get3A_133] : memref<2560xf32, #tpu.memory_space<vmem>>[vector<16xi32>], vector<16xf32>,
    %gather3A_137 = tpu.vector_load_idx %arg8[%get3A_133] : memref<2560xf32, #tpu.memory_space<vmem>>[vector<16xi32>], vector<16xf32>,
    %gather3A_138 = tpu.vector_load_idx %arg4[%get3A_133] : memref<2560xf32, #tpu.memory_space<vmem>>[vector<16xi32>], vector<16xf32>,
    %add3A_139 = arith.constant 48 : i32
    %add3A_140 = vector.broadcast %add3A_139 : i32 to vector<16xi32>
    %add3A_141 = arith.addi %iota3A, %add3A_140 : vector<16xi32>
    %lt3A_142 = arith.cmpi slt, %add3A_141, %scan3A_38 : vector<16xi32>
    %jit3A_143 = arith.constant -1.000000e+09 : f32
    %broadcast_in_dim3A_144 = vector.broadcast %jit3A_143 : f32 to vector<16xf32>
    %select_n3A_145 = arith.select %lt3A_142, %gather3A_138, %broadcast_in_dim3A_144 : vector<16xi1>, vector<16xf32>
    %swap3A_146 = arith.constant 48 : index
    %swap3A_147 = tpu.vector_load %arg10[%swap3A_146] {strides = array<i32>} : memref<128xf32, #tpu.memory_space<vmem>>, vector<16xf32>,
    tpu.vector_store %arg10[%swap3A_146], %select_n3A_145 {strides = array<i32>} : memref<128xf32, #tpu.memory_space<vmem>>, vector<16xf32>,
    %swap3A_148 = arith.constant 48 : index
    %swap3A_149 = tpu.vector_load %arg11[%swap3A_148] {strides = array<i32>} : memref<128xf32, #tpu.memory_space<vmem>>, vector<16xf32>,
    tpu.vector_store %arg11[%swap3A_148], %gather3A_134 {strides = array<i32>} : memref<128xf32, #tpu.memory_space<vmem>>, vector<16xf32>,
    %swap3A_150 = arith.constant 48 : index
    %swap3A_151 = tpu.vector_load %arg12[%swap3A_150] {strides = array<i32>} : memref<128xf32, #tpu.memory_space<vmem>>, vector<16xf32>,
    tpu.vector_store %arg12[%swap3A_150], %gather3A_135 {strides = array<i32>} : memref<128xf32, #tpu.memory_space<vmem>>, vector<16xf32>,
    %swap3A_152 = arith.constant 48 : index
    %swap3A_153 = tpu.vector_load %arg13[%swap3A_152] {strides = array<i32>} : memref<128xf32, #tpu.memory_space<vmem>>, vector<16xf32>,
    tpu.vector_store %arg13[%swap3A_152], %gather3A_136 {strides = array<i32>} : memref<128xf32, #tpu.memory_space<vmem>>, vector<16xf32>,
    %swap3A_154 = arith.constant 48 : index
    %swap3A_155 = tpu.vector_load %arg14[%swap3A_154] {strides = array<i32>} : memref<128xf32, #tpu.memory_space<vmem>>, vector<16xf32>,
    tpu.vector_store %arg14[%swap3A_154], %gather3A_137 {strides = array<i32>} : memref<128xf32, #tpu.memory_space<vmem>>, vector<16xf32>,
    %add3A_156 = vector.broadcast %mul3A_2 : i32 to vector<16xi32>
    %add3A_157 = arith.addi %get3A_133, %add3A_156 : vector<16xi32>
    %convert_element_type3A_158 = arith.sitofp %add3A_157 : vector<16xi32> to vector<16xf32>
    %swap3A_159 = arith.constant 48 : index
    %swap3A_160 = tpu.vector_load %arg15[%swap3A_159] {strides = array<i32>} : memref<128xf32, #tpu.memory_space<vmem>>, vector<16xf32>,
    tpu.vector_store %arg15[%swap3A_159], %convert_element_type3A_158 {strides = array<i32>} : memref<128xf32, #tpu.memory_space<vmem>>, vector<16xf32>,
    %get3A_161 = arith.constant 64 : index
    %get3A_162 = tpu.vector_load %arg9[%get3A_161] {strides = array<i32>} : memref<128xi32, #tpu.memory_space<vmem>>, vector<16xi32>,
    %gather3A_163 = tpu.vector_load_idx %arg5[%get3A_162] : memref<2560xf32, #tpu.memory_space<vmem>>[vector<16xi32>], vector<16xf32>,
    %gather3A_164 = tpu.vector_load_idx %arg6[%get3A_162] : memref<2560xf32, #tpu.memory_space<vmem>>[vector<16xi32>], vector<16xf32>,
    %gather3A_165 = tpu.vector_load_idx %arg7[%get3A_162] : memref<2560xf32, #tpu.memory_space<vmem>>[vector<16xi32>], vector<16xf32>,
    %gather3A_166 = tpu.vector_load_idx %arg8[%get3A_162] : memref<2560xf32, #tpu.memory_space<vmem>>[vector<16xi32>], vector<16xf32>,
    %gather3A_167 = tpu.vector_load_idx %arg4[%get3A_162] : memref<2560xf32, #tpu.memory_space<vmem>>[vector<16xi32>], vector<16xf32>,
    %add3A_168 = arith.constant 64 : i32
    %add3A_169 = vector.broadcast %add3A_168 : i32 to vector<16xi32>
    %add3A_170 = arith.addi %iota3A, %add3A_169 : vector<16xi32>
    %lt3A_171 = arith.cmpi slt, %add3A_170, %scan3A_38 : vector<16xi32>
    %jit3A_172 = arith.constant -1.000000e+09 : f32
    %broadcast_in_dim3A_173 = vector.broadcast %jit3A_172 : f32 to vector<16xf32>
    %select_n3A_174 = arith.select %lt3A_171, %gather3A_167, %broadcast_in_dim3A_173 : vector<16xi1>, vector<16xf32>
    %swap3A_175 = arith.constant 64 : index
    %swap3A_176 = tpu.vector_load %arg10[%swap3A_175] {strides = array<i32>} : memref<128xf32, #tpu.memory_space<vmem>>, vector<16xf32>,
    tpu.vector_store %arg10[%swap3A_175], %select_n3A_174 {strides = array<i32>} : memref<128xf32, #tpu.memory_space<vmem>>, vector<16xf32>,
    %swap3A_177 = arith.constant 64 : index
    %swap3A_178 = tpu.vector_load %arg11[%swap3A_177] {strides = array<i32>} : memref<128xf32, #tpu.memory_space<vmem>>, vector<16xf32>,
    tpu.vector_store %arg11[%swap3A_177], %gather3A_163 {strides = array<i32>} : memref<128xf32, #tpu.memory_space<vmem>>, vector<16xf32>,
    %swap3A_179 = arith.constant 64 : index
    %swap3A_180 = tpu.vector_load %arg12[%swap3A_179] {strides = array<i32>} : memref<128xf32, #tpu.memory_space<vmem>>, vector<16xf32>,
    tpu.vector_store %arg12[%swap3A_179], %gather3A_164 {strides = array<i32>} : memref<128xf32, #tpu.memory_space<vmem>>, vector<16xf32>,
    %swap3A_181 = arith.constant 64 : index
    %swap3A_182 = tpu.vector_load %arg13[%swap3A_181] {strides = array<i32>} : memref<128xf32, #tpu.memory_space<vmem>>, vector<16xf32>,
    tpu.vector_store %arg13[%swap3A_181], %gather3A_165 {strides = array<i32>} : memref<128xf32, #tpu.memory_space<vmem>>, vector<16xf32>,
    %swap3A_183 = arith.constant 64 : index
    %swap3A_184 = tpu.vector_load %arg14[%swap3A_183] {strides = array<i32>} : memref<128xf32, #tpu.memory_space<vmem>>, vector<16xf32>,
    tpu.vector_store %arg14[%swap3A_183], %gather3A_166 {strides = array<i32>} : memref<128xf32, #tpu.memory_space<vmem>>, vector<16xf32>,
    %add3A_185 = vector.broadcast %mul3A_2 : i32 to vector<16xi32>
    %add3A_186 = arith.addi %get3A_162, %add3A_185 : vector<16xi32>
    %convert_element_type3A_187 = arith.sitofp %add3A_186 : vector<16xi32> to vector<16xf32>
    %swap3A_188 = arith.constant 64 : index
    %swap3A_189 = tpu.vector_load %arg15[%swap3A_188] {strides = array<i32>} : memref<128xf32, #tpu.memory_space<vmem>>, vector<16xf32>,
    tpu.vector_store %arg15[%swap3A_188], %convert_element_type3A_187 {strides = array<i32>} : memref<128xf32, #tpu.memory_space<vmem>>, vector<16xf32>,
    %get3A_190 = arith.constant 80 : index
    %get3A_191 = tpu.vector_load %arg9[%get3A_190] {strides = array<i32>} : memref<128xi32, #tpu.memory_space<vmem>>, vector<16xi32>,
    %gather3A_192 = tpu.vector_load_idx %arg5[%get3A_191] : memref<2560xf32, #tpu.memory_space<vmem>>[vector<16xi32>], vector<16xf32>,
    %gather3A_193 = tpu.vector_load_idx %arg6[%get3A_191] : memref<2560xf32, #tpu.memory_space<vmem>>[vector<16xi32>], vector<16xf32>,
    %gather3A_194 = tpu.vector_load_idx %arg7[%get3A_191] : memref<2560xf32, #tpu.memory_space<vmem>>[vector<16xi32>], vector<16xf32>,
    %gather3A_195 = tpu.vector_load_idx %arg8[%get3A_191] : memref<2560xf32, #tpu.memory_space<vmem>>[vector<16xi32>], vector<16xf32>,
    %gather3A_196 = tpu.vector_load_idx %arg4[%get3A_191] : memref<2560xf32, #tpu.memory_space<vmem>>[vector<16xi32>], vector<16xf32>,
    %add3A_197 = arith.constant 80 : i32
    %add3A_198 = vector.broadcast %add3A_197 : i32 to vector<16xi32>
    %add3A_199 = arith.addi %iota3A, %add3A_198 : vector<16xi32>
    %lt3A_200 = arith.cmpi slt, %add3A_199, %scan3A_38 : vector<16xi32>
    %jit3A_201 = arith.constant -1.000000e+09 : f32
    %broadcast_in_dim3A_202 = vector.broadcast %jit3A_201 : f32 to vector<16xf32>
    %select_n3A_203 = arith.select %lt3A_200, %gather3A_196, %broadcast_in_dim3A_202 : vector<16xi1>, vector<16xf32>
    %swap3A_204 = arith.constant 80 : index
    %swap3A_205 = tpu.vector_load %arg10[%swap3A_204] {strides = array<i32>} : memref<128xf32, #tpu.memory_space<vmem>>, vector<16xf32>,
    tpu.vector_store %arg10[%swap3A_204], %select_n3A_203 {strides = array<i32>} : memref<128xf32, #tpu.memory_space<vmem>>, vector<16xf32>,
    %swap3A_206 = arith.constant 80 : index
    %swap3A_207 = tpu.vector_load %arg11[%swap3A_206] {strides = array<i32>} : memref<128xf32, #tpu.memory_space<vmem>>, vector<16xf32>,
    tpu.vector_store %arg11[%swap3A_206], %gather3A_192 {strides = array<i32>} : memref<128xf32, #tpu.memory_space<vmem>>, vector<16xf32>,
    %swap3A_208 = arith.constant 80 : index
    %swap3A_209 = tpu.vector_load %arg12[%swap3A_208] {strides = array<i32>} : memref<128xf32, #tpu.memory_space<vmem>>, vector<16xf32>,
    tpu.vector_store %arg12[%swap3A_208], %gather3A_193 {strides = array<i32>} : memref<128xf32, #tpu.memory_space<vmem>>, vector<16xf32>,
    %swap3A_210 = arith.constant 80 : index
    %swap3A_211 = tpu.vector_load %arg13[%swap3A_210] {strides = array<i32>} : memref<128xf32, #tpu.memory_space<vmem>>, vector<16xf32>,
    tpu.vector_store %arg13[%swap3A_210], %gather3A_194 {strides = array<i32>} : memref<128xf32, #tpu.memory_space<vmem>>, vector<16xf32>,
    %swap3A_212 = arith.constant 80 : index
    %swap3A_213 = tpu.vector_load %arg14[%swap3A_212] {strides = array<i32>} : memref<128xf32, #tpu.memory_space<vmem>>, vector<16xf32>,
    tpu.vector_store %arg14[%swap3A_212], %gather3A_195 {strides = array<i32>} : memref<128xf32, #tpu.memory_space<vmem>>, vector<16xf32>,
    %add3A_214 = vector.broadcast %mul3A_2 : i32 to vector<16xi32>
    %add3A_215 = arith.addi %get3A_191, %add3A_214 : vector<16xi32>
    %convert_element_type3A_216 = arith.sitofp %add3A_215 : vector<16xi32> to vector<16xf32>
    %swap3A_217 = arith.constant 80 : index
    %swap3A_218 = tpu.vector_load %arg15[%swap3A_217] {strides = array<i32>} : memref<128xf32, #tpu.memory_space<vmem>>, vector<16xf32>,
    tpu.vector_store %arg15[%swap3A_217], %convert_element_type3A_216 {strides = array<i32>} : memref<128xf32, #tpu.memory_space<vmem>>, vector<16xf32>,
    %get3A_219 = arith.constant 96 : index
    %get3A_220 = tpu.vector_load %arg9[%get3A_219] {strides = array<i32>} : memref<128xi32, #tpu.memory_space<vmem>>, vector<16xi32>,
    %gather3A_221 = tpu.vector_load_idx %arg5[%get3A_220] : memref<2560xf32, #tpu.memory_space<vmem>>[vector<16xi32>], vector<16xf32>,
    %gather3A_222 = tpu.vector_load_idx %arg6[%get3A_220] : memref<2560xf32, #tpu.memory_space<vmem>>[vector<16xi32>], vector<16xf32>,
    %gather3A_223 = tpu.vector_load_idx %arg7[%get3A_220] : memref<2560xf32, #tpu.memory_space<vmem>>[vector<16xi32>], vector<16xf32>,
    %gather3A_224 = tpu.vector_load_idx %arg8[%get3A_220] : memref<2560xf32, #tpu.memory_space<vmem>>[vector<16xi32>], vector<16xf32>,
    %gather3A_225 = tpu.vector_load_idx %arg4[%get3A_220] : memref<2560xf32, #tpu.memory_space<vmem>>[vector<16xi32>], vector<16xf32>,
    %add3A_226 = arith.constant 96 : i32
    %add3A_227 = vector.broadcast %add3A_226 : i32 to vector<16xi32>
    %add3A_228 = arith.addi %iota3A, %add3A_227 : vector<16xi32>
    %lt3A_229 = arith.cmpi slt, %add3A_228, %scan3A_38 : vector<16xi32>
    %jit3A_230 = arith.constant -1.000000e+09 : f32
    %broadcast_in_dim3A_231 = vector.broadcast %jit3A_230 : f32 to vector<16xf32>
    %select_n3A_232 = arith.select %lt3A_229, %gather3A_225, %broadcast_in_dim3A_231 : vector<16xi1>, vector<16xf32>
    %swap3A_233 = arith.constant 96 : index
    %swap3A_234 = tpu.vector_load %arg10[%swap3A_233] {strides = array<i32>} : memref<128xf32, #tpu.memory_space<vmem>>, vector<16xf32>,
    tpu.vector_store %arg10[%swap3A_233], %select_n3A_232 {strides = array<i32>} : memref<128xf32, #tpu.memory_space<vmem>>, vector<16xf32>,
    %swap3A_235 = arith.constant 96 : index
    %swap3A_236 = tpu.vector_load %arg11[%swap3A_235] {strides = array<i32>} : memref<128xf32, #tpu.memory_space<vmem>>, vector<16xf32>,
    tpu.vector_store %arg11[%swap3A_235], %gather3A_221 {strides = array<i32>} : memref<128xf32, #tpu.memory_space<vmem>>, vector<16xf32>,
    %swap3A_237 = arith.constant 96 : index
    %swap3A_238 = tpu.vector_load %arg12[%swap3A_237] {strides = array<i32>} : memref<128xf32, #tpu.memory_space<vmem>>, vector<16xf32>,
    tpu.vector_store %arg12[%swap3A_237], %gather3A_222 {strides = array<i32>} : memref<128xf32, #tpu.memory_space<vmem>>, vector<16xf32>,
    %swap3A_239 = arith.constant 96 : index
    %swap3A_240 = tpu.vector_load %arg13[%swap3A_239] {strides = array<i32>} : memref<128xf32, #tpu.memory_space<vmem>>, vector<16xf32>,
    tpu.vector_store %arg13[%swap3A_239], %gather3A_223 {strides = array<i32>} : memref<128xf32, #tpu.memory_space<vmem>>, vector<16xf32>,
    %swap3A_241 = arith.constant 96 : index
    %swap3A_242 = tpu.vector_load %arg14[%swap3A_241] {strides = array<i32>} : memref<128xf32, #tpu.memory_space<vmem>>, vector<16xf32>,
    tpu.vector_store %arg14[%swap3A_241], %gather3A_224 {strides = array<i32>} : memref<128xf32, #tpu.memory_space<vmem>>, vector<16xf32>,
    %add3A_243 = vector.broadcast %mul3A_2 : i32 to vector<16xi32>
    %add3A_244 = arith.addi %get3A_220, %add3A_243 : vector<16xi32>
    %convert_element_type3A_245 = arith.sitofp %add3A_244 : vector<16xi32> to vector<16xf32>
    %swap3A_246 = arith.constant 96 : index
    %swap3A_247 = tpu.vector_load %arg15[%swap3A_246] {strides = array<i32>} : memref<128xf32, #tpu.memory_space<vmem>>, vector<16xf32>,
    tpu.vector_store %arg15[%swap3A_246], %convert_element_type3A_245 {strides = array<i32>} : memref<128xf32, #tpu.memory_space<vmem>>, vector<16xf32>,
    %get3A_248 = arith.constant 112 : index
    %get3A_249 = tpu.vector_load %arg9[%get3A_248] {strides = array<i32>} : memref<128xi32, #tpu.memory_space<vmem>>, vector<16xi32>,
    %gather3A_250 = tpu.vector_load_idx %arg5[%get3A_249] : memref<2560xf32, #tpu.memory_space<vmem>>[vector<16xi32>], vector<16xf32>,
    %gather3A_251 = tpu.vector_load_idx %arg6[%get3A_249] : memref<2560xf32, #tpu.memory_space<vmem>>[vector<16xi32>], vector<16xf32>,
    %gather3A_252 = tpu.vector_load_idx %arg7[%get3A_249] : memref<2560xf32, #tpu.memory_space<vmem>>[vector<16xi32>], vector<16xf32>,
    %gather3A_253 = tpu.vector_load_idx %arg8[%get3A_249] : memref<2560xf32, #tpu.memory_space<vmem>>[vector<16xi32>], vector<16xf32>,
    %gather3A_254 = tpu.vector_load_idx %arg4[%get3A_249] : memref<2560xf32, #tpu.memory_space<vmem>>[vector<16xi32>], vector<16xf32>,
    %add3A_255 = arith.constant 112 : i32
    %add3A_256 = vector.broadcast %add3A_255 : i32 to vector<16xi32>
    %add3A_257 = arith.addi %iota3A, %add3A_256 : vector<16xi32>
    %lt3A_258 = arith.cmpi slt, %add3A_257, %scan3A_38 : vector<16xi32>
    %jit3A_259 = arith.constant -1.000000e+09 : f32
    %broadcast_in_dim3A_260 = vector.broadcast %jit3A_259 : f32 to vector<16xf32>
    %select_n3A_261 = arith.select %lt3A_258, %gather3A_254, %broadcast_in_dim3A_260 : vector<16xi1>, vector<16xf32>
    %swap3A_262 = arith.constant 112 : index
    %swap3A_263 = tpu.vector_load %arg10[%swap3A_262] {strides = array<i32>} : memref<128xf32, #tpu.memory_space<vmem>>, vector<16xf32>,
    tpu.vector_store %arg10[%swap3A_262], %select_n3A_261 {strides = array<i32>} : memref<128xf32, #tpu.memory_space<vmem>>, vector<16xf32>,
    %swap3A_264 = arith.constant 112 : index
    %swap3A_265 = tpu.vector_load %arg11[%swap3A_264] {strides = array<i32>} : memref<128xf32, #tpu.memory_space<vmem>>, vector<16xf32>,
    tpu.vector_store %arg11[%swap3A_264], %gather3A_250 {strides = array<i32>} : memref<128xf32, #tpu.memory_space<vmem>>, vector<16xf32>,
    %swap3A_266 = arith.constant 112 : index
    %swap3A_267 = tpu.vector_load %arg12[%swap3A_266] {strides = array<i32>} : memref<128xf32, #tpu.memory_space<vmem>>, vector<16xf32>,
    tpu.vector_store %arg12[%swap3A_266], %gather3A_251 {strides = array<i32>} : memref<128xf32, #tpu.memory_space<vmem>>, vector<16xf32>,
    %swap3A_268 = arith.constant 112 : index
    %swap3A_269 = tpu.vector_load %arg13[%swap3A_268] {strides = array<i32>} : memref<128xf32, #tpu.memory_space<vmem>>, vector<16xf32>,
    tpu.vector_store %arg13[%swap3A_268], %gather3A_252 {strides = array<i32>} : memref<128xf32, #tpu.memory_space<vmem>>, vector<16xf32>,
    %swap3A_270 = arith.constant 112 : index
    %swap3A_271 = tpu.vector_load %arg14[%swap3A_270] {strides = array<i32>} : memref<128xf32, #tpu.memory_space<vmem>>, vector<16xf32>,
    tpu.vector_store %arg14[%swap3A_270], %gather3A_253 {strides = array<i32>} : memref<128xf32, #tpu.memory_space<vmem>>, vector<16xf32>,
    %add3A_272 = vector.broadcast %mul3A_2 : i32 to vector<16xi32>
    %add3A_273 = arith.addi %get3A_249, %add3A_272 : vector<16xi32>
    %convert_element_type3A_274 = arith.sitofp %add3A_273 : vector<16xi32> to vector<16xf32>
    %swap3A_275 = arith.constant 112 : index
    %swap3A_276 = tpu.vector_load %arg15[%swap3A_275] {strides = array<i32>} : memref<128xf32, #tpu.memory_space<vmem>>, vector<16xf32>,
    tpu.vector_store %arg15[%swap3A_275], %convert_element_type3A_274 {strides = array<i32>} : memref<128xf32, #tpu.memory_space<vmem>>, vector<16xf32>,
    %run_scoped3A = arith.constant 0 : i32
    "tpu.region"() ({
      %run_scoped3A_282 = tpu.sem_alloc : memref<!tpu.dma_semaphore, #tpu.memory_space<semaphore_mem>>
      %dma_start3A = arith.constant 0 : i32
      %dma_start3A_283 = tpu.memref_slice %arg3[%run_scoped3A, %add3A, %dma_start3A] : memref<6x32x128xf32, #tpu.memory_space<hbm>> -> memref<1x1x128xf32, #tpu.memory_space<hbm>>
      %dma_start3A_284 = tpu.memref_squeeze %dma_start3A_283 : memref<1x1x128xf32, #tpu.memory_space<hbm>> -> memref<128xf32, #tpu.memory_space<hbm>>
      %dma_start3A_285 = arith.constant 0 : i32
      %dma_start3A_286 = tpu.memref_slice %arg3[%run_scoped3A, %add3A, %dma_start3A_285] : memref<6x32x128xf32, #tpu.memory_space<hbm>> -> memref<1x1x128xf32, #tpu.memory_space<hbm>>
      %dma_start3A_287 = tpu.memref_squeeze %dma_start3A_286 : memref<1x1x128xf32, #tpu.memory_space<hbm>> -> memref<128xf32, #tpu.memory_space<hbm>>
      tpu.enqueue_dma source(%arg10 : memref<128xf32, #tpu.memory_space<vmem>>) target(%dma_start3A_287 : memref<128xf32, #tpu.memory_space<hbm>>) target_semaphore(%run_scoped3A_282 : memref<!tpu.dma_semaphore, #tpu.memory_space<semaphore_mem>>)
      %dma_wait3A = arith.constant 0 : i32
      %dma_wait3A_288 = tpu.memref_slice %arg3[%run_scoped3A, %add3A, %dma_wait3A] : memref<6x32x128xf32, #tpu.memory_space<hbm>> -> memref<1x1x128xf32, #tpu.memory_space<hbm>>
      %dma_wait3A_289 = tpu.memref_squeeze %dma_wait3A_288 : memref<1x1x128xf32, #tpu.memory_space<hbm>> -> memref<128xf32, #tpu.memory_space<hbm>>
      %dma_wait3A_290 = arith.constant 0 : i32
      %dma_wait3A_291 = tpu.memref_slice %arg3[%run_scoped3A, %add3A, %dma_wait3A_290] : memref<6x32x128xf32, #tpu.memory_space<hbm>> -> memref<1x1x128xf32, #tpu.memory_space<hbm>>
      %dma_wait3A_292 = tpu.memref_squeeze %dma_wait3A_291 : memref<1x1x128xf32, #tpu.memory_space<hbm>> -> memref<128xf32, #tpu.memory_space<hbm>>
      tpu.wait_dma2 semaphore(%run_scoped3A_282 : memref<!tpu.dma_semaphore, #tpu.memory_space<semaphore_mem>>) src(%arg10 : memref<128xf32, #tpu.memory_space<vmem>>) dst(%dma_wait3A_292 : memref<128xf32, #tpu.memory_space<hbm>>)
      tpu.yield
    }) : () -> ()
    %run_scoped3A_277 = arith.constant 1 : i32
    "tpu.region"() ({
      %run_scoped3A_282 = tpu.sem_alloc : memref<!tpu.dma_semaphore, #tpu.memory_space<semaphore_mem>>
      %dma_start3A = arith.constant 0 : i32
      %dma_start3A_283 = tpu.memref_slice %arg3[%run_scoped3A_277, %add3A, %dma_start3A] : memref<6x32x128xf32, #tpu.memory_space<hbm>> -> memref<1x1x128xf32, #tpu.memory_space<hbm>>
      %dma_start3A_284 = tpu.memref_squeeze %dma_start3A_283 : memref<1x1x128xf32, #tpu.memory_space<hbm>> -> memref<128xf32, #tpu.memory_space<hbm>>
      %dma_start3A_285 = arith.constant 0 : i32
      %dma_start3A_286 = tpu.memref_slice %arg3[%run_scoped3A_277, %add3A, %dma_start3A_285] : memref<6x32x128xf32, #tpu.memory_space<hbm>> -> memref<1x1x128xf32, #tpu.memory_space<hbm>>
      %dma_start3A_287 = tpu.memref_squeeze %dma_start3A_286 : memref<1x1x128xf32, #tpu.memory_space<hbm>> -> memref<128xf32, #tpu.memory_space<hbm>>
      tpu.enqueue_dma source(%arg11 : memref<128xf32, #tpu.memory_space<vmem>>) target(%dma_start3A_287 : memref<128xf32, #tpu.memory_space<hbm>>) target_semaphore(%run_scoped3A_282 : memref<!tpu.dma_semaphore, #tpu.memory_space<semaphore_mem>>)
      %dma_wait3A = arith.constant 0 : i32
      %dma_wait3A_288 = tpu.memref_slice %arg3[%run_scoped3A_277, %add3A, %dma_wait3A] : memref<6x32x128xf32, #tpu.memory_space<hbm>> -> memref<1x1x128xf32, #tpu.memory_space<hbm>>
      %dma_wait3A_289 = tpu.memref_squeeze %dma_wait3A_288 : memref<1x1x128xf32, #tpu.memory_space<hbm>> -> memref<128xf32, #tpu.memory_space<hbm>>
      %dma_wait3A_290 = arith.constant 0 : i32
      %dma_wait3A_291 = tpu.memref_slice %arg3[%run_scoped3A_277, %add3A, %dma_wait3A_290] : memref<6x32x128xf32, #tpu.memory_space<hbm>> -> memref<1x1x128xf32, #tpu.memory_space<hbm>>
      %dma_wait3A_292 = tpu.memref_squeeze %dma_wait3A_291 : memref<1x1x128xf32, #tpu.memory_space<hbm>> -> memref<128xf32, #tpu.memory_space<hbm>>
      tpu.wait_dma2 semaphore(%run_scoped3A_282 : memref<!tpu.dma_semaphore, #tpu.memory_space<semaphore_mem>>) src(%arg11 : memref<128xf32, #tpu.memory_space<vmem>>) dst(%dma_wait3A_292 : memref<128xf32, #tpu.memory_space<hbm>>)
      tpu.yield
    }) : () -> ()
    %run_scoped3A_278 = arith.constant 2 : i32
    "tpu.region"() ({
      %run_scoped3A_282 = tpu.sem_alloc : memref<!tpu.dma_semaphore, #tpu.memory_space<semaphore_mem>>
      %dma_start3A = arith.constant 0 : i32
      %dma_start3A_283 = tpu.memref_slice %arg3[%run_scoped3A_278, %add3A, %dma_start3A] : memref<6x32x128xf32, #tpu.memory_space<hbm>> -> memref<1x1x128xf32, #tpu.memory_space<hbm>>
      %dma_start3A_284 = tpu.memref_squeeze %dma_start3A_283 : memref<1x1x128xf32, #tpu.memory_space<hbm>> -> memref<128xf32, #tpu.memory_space<hbm>>
      %dma_start3A_285 = arith.constant 0 : i32
      %dma_start3A_286 = tpu.memref_slice %arg3[%run_scoped3A_278, %add3A, %dma_start3A_285] : memref<6x32x128xf32, #tpu.memory_space<hbm>> -> memref<1x1x128xf32, #tpu.memory_space<hbm>>
      %dma_start3A_287 = tpu.memref_squeeze %dma_start3A_286 : memref<1x1x128xf32, #tpu.memory_space<hbm>> -> memref<128xf32, #tpu.memory_space<hbm>>
      tpu.enqueue_dma source(%arg12 : memref<128xf32, #tpu.memory_space<vmem>>) target(%dma_start3A_287 : memref<128xf32, #tpu.memory_space<hbm>>) target_semaphore(%run_scoped3A_282 : memref<!tpu.dma_semaphore, #tpu.memory_space<semaphore_mem>>)
      %dma_wait3A = arith.constant 0 : i32
      %dma_wait3A_288 = tpu.memref_slice %arg3[%run_scoped3A_278, %add3A, %dma_wait3A] : memref<6x32x128xf32, #tpu.memory_space<hbm>> -> memref<1x1x128xf32, #tpu.memory_space<hbm>>
      %dma_wait3A_289 = tpu.memref_squeeze %dma_wait3A_288 : memref<1x1x128xf32, #tpu.memory_space<hbm>> -> memref<128xf32, #tpu.memory_space<hbm>>
      %dma_wait3A_290 = arith.constant 0 : i32
      %dma_wait3A_291 = tpu.memref_slice %arg3[%run_scoped3A_278, %add3A, %dma_wait3A_290] : memref<6x32x128xf32, #tpu.memory_space<hbm>> -> memref<1x1x128xf32, #tpu.memory_space<hbm>>
      %dma_wait3A_292 = tpu.memref_squeeze %dma_wait3A_291 : memref<1x1x128xf32, #tpu.memory_space<hbm>> -> memref<128xf32, #tpu.memory_space<hbm>>
      tpu.wait_dma2 semaphore(%run_scoped3A_282 : memref<!tpu.dma_semaphore, #tpu.memory_space<semaphore_mem>>) src(%arg12 : memref<128xf32, #tpu.memory_space<vmem>>) dst(%dma_wait3A_292 : memref<128xf32, #tpu.memory_space<hbm>>)
      tpu.yield
    }) : () -> ()
    %run_scoped3A_279 = arith.constant 3 : i32
    "tpu.region"() ({
      %run_scoped3A_282 = tpu.sem_alloc : memref<!tpu.dma_semaphore, #tpu.memory_space<semaphore_mem>>
      %dma_start3A = arith.constant 0 : i32
      %dma_start3A_283 = tpu.memref_slice %arg3[%run_scoped3A_279, %add3A, %dma_start3A] : memref<6x32x128xf32, #tpu.memory_space<hbm>> -> memref<1x1x128xf32, #tpu.memory_space<hbm>>
      %dma_start3A_284 = tpu.memref_squeeze %dma_start3A_283 : memref<1x1x128xf32, #tpu.memory_space<hbm>> -> memref<128xf32, #tpu.memory_space<hbm>>
      %dma_start3A_285 = arith.constant 0 : i32
      %dma_start3A_286 = tpu.memref_slice %arg3[%run_scoped3A_279, %add3A, %dma_start3A_285] : memref<6x32x128xf32, #tpu.memory_space<hbm>> -> memref<1x1x128xf32, #tpu.memory_space<hbm>>
      %dma_start3A_287 = tpu.memref_squeeze %dma_start3A_286 : memref<1x1x128xf32, #tpu.memory_space<hbm>> -> memref<128xf32, #tpu.memory_space<hbm>>
      tpu.enqueue_dma source(%arg13 : memref<128xf32, #tpu.memory_space<vmem>>) target(%dma_start3A_287 : memref<128xf32, #tpu.memory_space<hbm>>) target_semaphore(%run_scoped3A_282 : memref<!tpu.dma_semaphore, #tpu.memory_space<semaphore_mem>>)
      %dma_wait3A = arith.constant 0 : i32
      %dma_wait3A_288 = tpu.memref_slice %arg3[%run_scoped3A_279, %add3A, %dma_wait3A] : memref<6x32x128xf32, #tpu.memory_space<hbm>> -> memref<1x1x128xf32, #tpu.memory_space<hbm>>
      %dma_wait3A_289 = tpu.memref_squeeze %dma_wait3A_288 : memref<1x1x128xf32, #tpu.memory_space<hbm>> -> memref<128xf32, #tpu.memory_space<hbm>>
      %dma_wait3A_290 = arith.constant 0 : i32
      %dma_wait3A_291 = tpu.memref_slice %arg3[%run_scoped3A_279, %add3A, %dma_wait3A_290] : memref<6x32x128xf32, #tpu.memory_space<hbm>> -> memref<1x1x128xf32, #tpu.memory_space<hbm>>
      %dma_wait3A_292 = tpu.memref_squeeze %dma_wait3A_291 : memref<1x1x128xf32, #tpu.memory_space<hbm>> -> memref<128xf32, #tpu.memory_space<hbm>>
      tpu.wait_dma2 semaphore(%run_scoped3A_282 : memref<!tpu.dma_semaphore, #tpu.memory_space<semaphore_mem>>) src(%arg13 : memref<128xf32, #tpu.memory_space<vmem>>) dst(%dma_wait3A_292 : memref<128xf32, #tpu.memory_space<hbm>>)
      tpu.yield
    }) : () -> ()
    %run_scoped3A_280 = arith.constant 4 : i32
    "tpu.region"() ({
      %run_scoped3A_282 = tpu.sem_alloc : memref<!tpu.dma_semaphore, #tpu.memory_space<semaphore_mem>>
      %dma_start3A = arith.constant 0 : i32
      %dma_start3A_283 = tpu.memref_slice %arg3[%run_scoped3A_280, %add3A, %dma_start3A] : memref<6x32x128xf32, #tpu.memory_space<hbm>> -> memref<1x1x128xf32, #tpu.memory_space<hbm>>
      %dma_start3A_284 = tpu.memref_squeeze %dma_start3A_283 : memref<1x1x128xf32, #tpu.memory_space<hbm>> -> memref<128xf32, #tpu.memory_space<hbm>>
      %dma_start3A_285 = arith.constant 0 : i32
      %dma_start3A_286 = tpu.memref_slice %arg3[%run_scoped3A_280, %add3A, %dma_start3A_285] : memref<6x32x128xf32, #tpu.memory_space<hbm>> -> memref<1x1x128xf32, #tpu.memory_space<hbm>>
      %dma_start3A_287 = tpu.memref_squeeze %dma_start3A_286 : memref<1x1x128xf32, #tpu.memory_space<hbm>> -> memref<128xf32, #tpu.memory_space<hbm>>
      tpu.enqueue_dma source(%arg14 : memref<128xf32, #tpu.memory_space<vmem>>) target(%dma_start3A_287 : memref<128xf32, #tpu.memory_space<hbm>>) target_semaphore(%run_scoped3A_282 : memref<!tpu.dma_semaphore, #tpu.memory_space<semaphore_mem>>)
      %dma_wait3A = arith.constant 0 : i32
      %dma_wait3A_288 = tpu.memref_slice %arg3[%run_scoped3A_280, %add3A, %dma_wait3A] : memref<6x32x128xf32, #tpu.memory_space<hbm>> -> memref<1x1x128xf32, #tpu.memory_space<hbm>>
      %dma_wait3A_289 = tpu.memref_squeeze %dma_wait3A_288 : memref<1x1x128xf32, #tpu.memory_space<hbm>> -> memref<128xf32, #tpu.memory_space<hbm>>
      %dma_wait3A_290 = arith.constant 0 : i32
      %dma_wait3A_291 = tpu.memref_slice %arg3[%run_scoped3A_280, %add3A, %dma_wait3A_290] : memref<6x32x128xf32, #tpu.memory_space<hbm>> -> memref<1x1x128xf32, #tpu.memory_space<hbm>>
      %dma_wait3A_292 = tpu.memref_squeeze %dma_wait3A_291 : memref<1x1x128xf32, #tpu.memory_space<hbm>> -> memref<128xf32, #tpu.memory_space<hbm>>
      tpu.wait_dma2 semaphore(%run_scoped3A_282 : memref<!tpu.dma_semaphore, #tpu.memory_space<semaphore_mem>>) src(%arg14 : memref<128xf32, #tpu.memory_space<vmem>>) dst(%dma_wait3A_292 : memref<128xf32, #tpu.memory_space<hbm>>)
      tpu.yield
    }) : () -> ()
    %run_scoped3A_281 = arith.constant 5 : i32
    "tpu.region"() ({
      %run_scoped3A_282 = tpu.sem_alloc : memref<!tpu.dma_semaphore, #tpu.memory_space<semaphore_mem>>
      %dma_start3A = arith.constant 0 : i32
      %dma_start3A_283 = tpu.memref_slice %arg3[%run_scoped3A_281, %add3A, %dma_start3A] : memref<6x32x128xf32, #tpu.memory_space<hbm>> -> memref<1x1x128xf32, #tpu.memory_space<hbm>>
      %dma_start3A_284 = tpu.memref_squeeze %dma_start3A_283 : memref<1x1x128xf32, #tpu.memory_space<hbm>> -> memref<128xf32, #tpu.memory_space<hbm>>
      %dma_start3A_285 = arith.constant 0 : i32
      %dma_start3A_286 = tpu.memref_slice %arg3[%run_scoped3A_281, %add3A, %dma_start3A_285] : memref<6x32x128xf32, #tpu.memory_space<hbm>> -> memref<1x1x128xf32, #tpu.memory_space<hbm>>
      %dma_start3A_287 = tpu.memref_squeeze %dma_start3A_286 : memref<1x1x128xf32, #tpu.memory_space<hbm>> -> memref<128xf32, #tpu.memory_space<hbm>>
      tpu.enqueue_dma source(%arg15 : memref<128xf32, #tpu.memory_space<vmem>>) target(%dma_start3A_287 : memref<128xf32, #tpu.memory_space<hbm>>) target_semaphore(%run_scoped3A_282 : memref<!tpu.dma_semaphore, #tpu.memory_space<semaphore_mem>>)
      %dma_wait3A = arith.constant 0 : i32
      %dma_wait3A_288 = tpu.memref_slice %arg3[%run_scoped3A_281, %add3A, %dma_wait3A] : memref<6x32x128xf32, #tpu.memory_space<hbm>> -> memref<1x1x128xf32, #tpu.memory_space<hbm>>
      %dma_wait3A_289 = tpu.memref_squeeze %dma_wait3A_288 : memref<1x1x128xf32, #tpu.memory_space<hbm>> -> memref<128xf32, #tpu.memory_space<hbm>>
      %dma_wait3A_290 = arith.constant 0 : i32
      %dma_wait3A_291 = tpu.memref_slice %arg3[%run_scoped3A_281, %add3A, %dma_wait3A_290] : memref<6x32x128xf32, #tpu.memory_space<hbm>> -> memref<1x1x128xf32, #tpu.memory_space<hbm>>
      %dma_wait3A_292 = tpu.memref_squeeze %dma_wait3A_291 : memref<1x1x128xf32, #tpu.memory_space<hbm>> -> memref<128xf32, #tpu.memory_space<hbm>>
      tpu.wait_dma2 semaphore(%run_scoped3A_282 : memref<!tpu.dma_semaphore, #tpu.memory_space<semaphore_mem>>) src(%arg15 : memref<128xf32, #tpu.memory_space<vmem>>) dst(%dma_wait3A_292 : memref<128xf32, #tpu.memory_space<hbm>>)
      tpu.yield
    }) : () -> ()
    return
  }
}

module attributes {stable_mosaic.version = 14 : i64} {
  func.func @_dense_body(%arg0: memref<1000x4xf32, #tpu.memory_space<vmem>>, %arg1: memref<1000x81xf32, #tpu.memory_space<vmem>>, %arg2: memref<1000x80xf32, #tpu.memory_space<vmem>>, %arg3: memref<1000x80xf32, #tpu.memory_space<vmem>>, %arg4: memref<1000x80xf32, #tpu.memory_space<vmem>>, %arg5: memref<1000x80xf32, #tpu.memory_space<vmem>>, %arg6: memref<5x1024x80xf32, #tpu.memory_space<vmem>>) attributes {dimension_semantics = [], scalar_prefetch = 0 : i64, scratch_operands = 0 : i64, tpu.core_type = #tpu.core_type<tc>} {
    %get3A = arith.constant 0 : index
    %get3A_0 = arith.constant 0 : index
    %get3A_1 = vector.load %arg1[%get3A, %get3A_0] : memref<1000x81xf32, #tpu.memory_space<vmem>>, vector<1000x81xf32>
    %reduce_max3A = arith.constant dense<0xFF800000> : vector<1000xf32>
    %reduce_max3A_2 = vector.multi_reduction <maximumf>, %get3A_1, %reduce_max3A [1] : vector<1000x81xf32> to vector<1000xf32>
    %broadcast_in_dim3A = vector.shape_cast %reduce_max3A_2 : vector<1000xf32> to vector<1000x1xf32>
    %sub3A = vector.broadcast %broadcast_in_dim3A : vector<1000x1xf32> to vector<1000x81xf32>
    %sub3A_3 = arith.subf %get3A_1, %sub3A : vector<1000x81xf32>
    %exp3A = math.exp %sub3A_3 : vector<1000x81xf32>
    %reduce_sum3A = arith.constant dense<0.000000e+00> : vector<1000xf32>
    %reduce_sum3A_4 = vector.multi_reduction <add>, %exp3A, %reduce_sum3A [1] : vector<1000x81xf32> to vector<1000xf32>
    %broadcast_in_dim3A_5 = vector.shape_cast %reduce_sum3A_4 : vector<1000xf32> to vector<1000x1xf32>
    %div3A = vector.broadcast %broadcast_in_dim3A_5 : vector<1000x1xf32> to vector<1000x81xf32>
    %div3A_6 = arith.divf %exp3A, %div3A : vector<1000x81xf32>
    %slice3A = vector.extract_strided_slice %div3A_6 {offsets = [0, 0], sizes = [1000, 80], strides = [1, 1]} : vector<1000x81xf32> to vector<1000x80xf32>
    %gt3A = arith.constant 5.000000e-02 : f32
    %gt3A_7 = vector.broadcast %gt3A : f32 to vector<1000x80xf32>
    %gt3A_8 = arith.cmpf ogt, %slice3A, %gt3A_7 : vector<1000x80xf32>
    %jit3A = arith.constant -1.000000e+09 : f32
    %broadcast_in_dim3A_9 = vector.broadcast %jit3A : f32 to vector<1000x80xf32>
    %select_n3A = arith.select %gt3A_8, %slice3A, %broadcast_in_dim3A_9 : vector<1000x80xi1>, vector<1000x80xf32>
    %swap3A = arith.constant 0 : index
    %swap3A_10 = arith.constant 0 : index
    %swap3A_11 = arith.constant 0 : index
    %swap3A_12 = vector.load %arg6[%swap3A, %swap3A_10, %swap3A_11] : memref<5x1024x80xf32, #tpu.memory_space<vmem>>, vector<1x1000x80xf32>
    %swap3A_13 = vector.shape_cast %swap3A_12 : vector<1x1000x80xf32> to vector<1000x80xf32>
    %swap3A_14 = vector.shape_cast %select_n3A : vector<1000x80xf32> to vector<1x1000x80xf32>
    tpu.vector_store %arg6[%swap3A, %swap3A_10, %swap3A_11], %swap3A_14 {strides = array<i32>} : memref<5x1024x80xf32, #tpu.memory_space<vmem>>, vector<1x1000x80xf32>,
    %broadcast_in_dim3A_15 = arith.constant -1.000000e+09 : f32
    %broadcast_in_dim3A_16 = vector.broadcast %broadcast_in_dim3A_15 : f32 to vector<24x80xf32>
    %swap3A_17 = arith.constant 0 : index
    %swap3A_18 = arith.constant 1000 : index
    %swap3A_19 = arith.constant 0 : index
    %swap3A_20 = vector.load %arg6[%swap3A_17, %swap3A_18, %swap3A_19] : memref<5x1024x80xf32, #tpu.memory_space<vmem>>, vector<1x24x80xf32>
    %swap3A_21 = vector.shape_cast %swap3A_20 : vector<1x24x80xf32> to vector<24x80xf32>
    %swap3A_22 = vector.shape_cast %broadcast_in_dim3A_16 : vector<24x80xf32> to vector<1x24x80xf32>
    tpu.vector_store %arg6[%swap3A_17, %swap3A_18, %swap3A_19], %swap3A_22 {strides = array<i32>} : memref<5x1024x80xf32, #tpu.memory_space<vmem>>, vector<1x24x80xf32>,
    %get3A_23 = arith.constant 0 : index
    %get3A_24 = arith.constant 0 : index
    %get3A_25 = vector.load %arg0[%get3A_23, %get3A_24] : memref<1000x4xf32, #tpu.memory_space<vmem>>, vector<1000x4xf32>
    %slice3A_26 = vector.extract_strided_slice %get3A_25 {offsets = [0, 2], sizes = [1000, 1], strides = [1, 1]} : vector<1000x4xf32> to vector<1000x1xf32>
    %slice3A_27 = vector.extract_strided_slice %get3A_25 {offsets = [0, 0], sizes = [1000, 1], strides = [1, 1]} : vector<1000x4xf32> to vector<1000x1xf32>
    %sub3A_28 = arith.subf %slice3A_26, %slice3A_27 : vector<1000x1xf32>
    %slice3A_29 = vector.extract_strided_slice %get3A_25 {offsets = [0, 3], sizes = [1000, 1], strides = [1, 1]} : vector<1000x4xf32> to vector<1000x1xf32>
    %slice3A_30 = vector.extract_strided_slice %get3A_25 {offsets = [0, 1], sizes = [1000, 1], strides = [1, 1]} : vector<1000x4xf32> to vector<1000x1xf32>
    %sub3A_31 = arith.subf %slice3A_29, %slice3A_30 : vector<1000x1xf32>
    %slice3A_32 = vector.extract_strided_slice %get3A_25 {offsets = [0, 0], sizes = [1000, 1], strides = [1, 1]} : vector<1000x4xf32> to vector<1000x1xf32>
    %mul3A = arith.constant 5.000000e-01 : f32
    %mul3A_33 = vector.broadcast %mul3A : f32 to vector<1000x1xf32>
    %mul3A_34 = arith.mulf %mul3A_33, %sub3A_28 : vector<1000x1xf32>
    %add3A = arith.addf %slice3A_32, %mul3A_34 : vector<1000x1xf32>
    %slice3A_35 = vector.extract_strided_slice %get3A_25 {offsets = [0, 1], sizes = [1000, 1], strides = [1, 1]} : vector<1000x4xf32> to vector<1000x1xf32>
    %mul3A_36 = arith.constant 5.000000e-01 : f32
    %mul3A_37 = vector.broadcast %mul3A_36 : f32 to vector<1000x1xf32>
    %mul3A_38 = arith.mulf %mul3A_37, %sub3A_31 : vector<1000x1xf32>
    %add3A_39 = arith.addf %slice3A_35, %mul3A_38 : vector<1000x1xf32>
    %get3A_40 = arith.constant 0 : index
    %get3A_41 = arith.constant 0 : index
    %get3A_42 = vector.load %arg2[%get3A_40, %get3A_41] : memref<1000x80xf32, #tpu.memory_space<vmem>>, vector<1000x80xf32>
    %div3A_43 = arith.constant 1.000000e+01 : f32
    %div3A_44 = vector.broadcast %div3A_43 : f32 to vector<1000x80xf32>
    %div3A_45 = arith.divf %get3A_42, %div3A_44 : vector<1000x80xf32>
    %get3A_46 = arith.constant 0 : index
    %get3A_47 = arith.constant 0 : index
    %get3A_48 = vector.load %arg3[%get3A_46, %get3A_47] : memref<1000x80xf32, #tpu.memory_space<vmem>>, vector<1000x80xf32>
    %div3A_49 = arith.constant 1.000000e+01 : f32
    %div3A_50 = vector.broadcast %div3A_49 : f32 to vector<1000x80xf32>
    %div3A_51 = arith.divf %get3A_48, %div3A_50 : vector<1000x80xf32>
    %get3A_52 = arith.constant 0 : index
    %get3A_53 = arith.constant 0 : index
    %get3A_54 = vector.load %arg4[%get3A_52, %get3A_53] : memref<1000x80xf32, #tpu.memory_space<vmem>>, vector<1000x80xf32>
    %div3A_55 = arith.constant 5.000000e+00 : f32
    %div3A_56 = vector.broadcast %div3A_55 : f32 to vector<1000x80xf32>
    %div3A_57 = arith.divf %get3A_54, %div3A_56 : vector<1000x80xf32>
    %min3A = arith.constant 4.13516665 : f32
    %min3A_58 = vector.broadcast %min3A : f32 to vector<1000x80xf32>
    %min3A_59 = arith.minimumf %div3A_57, %min3A_58 : vector<1000x80xf32>
    %get3A_60 = arith.constant 0 : index
    %get3A_61 = arith.constant 0 : index
    %get3A_62 = vector.load %arg5[%get3A_60, %get3A_61] : memref<1000x80xf32, #tpu.memory_space<vmem>>, vector<1000x80xf32>
    %div3A_63 = arith.constant 5.000000e+00 : f32
    %div3A_64 = vector.broadcast %div3A_63 : f32 to vector<1000x80xf32>
    %div3A_65 = arith.divf %get3A_62, %div3A_64 : vector<1000x80xf32>
    %min3A_66 = arith.constant 4.13516665 : f32
    %min3A_67 = vector.broadcast %min3A_66 : f32 to vector<1000x80xf32>
    %min3A_68 = arith.minimumf %div3A_65, %min3A_67 : vector<1000x80xf32>
    %mul3A_69 = vector.broadcast %sub3A_28 : vector<1000x1xf32> to vector<1000x80xf32>
    %mul3A_70 = arith.mulf %div3A_45, %mul3A_69 : vector<1000x80xf32>
    %add3A_71 = vector.broadcast %add3A : vector<1000x1xf32> to vector<1000x80xf32>
    %add3A_72 = arith.addf %mul3A_70, %add3A_71 : vector<1000x80xf32>
    %mul3A_73 = vector.broadcast %sub3A_31 : vector<1000x1xf32> to vector<1000x80xf32>
    %mul3A_74 = arith.mulf %div3A_51, %mul3A_73 : vector<1000x80xf32>
    %add3A_75 = vector.broadcast %add3A_39 : vector<1000x1xf32> to vector<1000x80xf32>
    %add3A_76 = arith.addf %mul3A_74, %add3A_75 : vector<1000x80xf32>
    %exp3A_77 = math.exp %min3A_59 : vector<1000x80xf32>
    %mul3A_78 = vector.broadcast %sub3A_28 : vector<1000x1xf32> to vector<1000x80xf32>
    %mul3A_79 = arith.mulf %exp3A_77, %mul3A_78 : vector<1000x80xf32>
    %exp3A_80 = math.exp %min3A_68 : vector<1000x80xf32>
    %mul3A_81 = vector.broadcast %sub3A_31 : vector<1000x1xf32> to vector<1000x80xf32>
    %mul3A_82 = arith.mulf %exp3A_80, %mul3A_81 : vector<1000x80xf32>
    %iota3A = tpu.iota {dimensions = array<i32: 1>} : vector<1000x80xi32>
    %convert_element_type3A = arith.sitofp %iota3A : vector<1000x80xi32> to vector<1000x80xf32>
    %mul3A_83 = arith.constant 4.096000e+03 : f32
    %mul3A_84 = vector.broadcast %mul3A_83 : f32 to vector<1000x80xf32>
    %mul3A_85 = arith.mulf %convert_element_type3A, %mul3A_84 : vector<1000x80xf32>
    %broadcast_in_dim3A_86 = arith.constant 0.000000e+00 : f32
    %broadcast_in_dim3A_87 = vector.broadcast %broadcast_in_dim3A_86 : f32 to vector<24x80xf32>
    %mul3A_88 = arith.constant 5.000000e-01 : f32
    %mul3A_89 = vector.broadcast %mul3A_88 : f32 to vector<1000x80xf32>
    %mul3A_90 = arith.mulf %mul3A_89, %mul3A_79 : vector<1000x80xf32>
    %sub3A_91 = arith.subf %add3A_72, %mul3A_90 : vector<1000x80xf32>
    %add3A_92 = arith.addf %sub3A_91, %mul3A_85 : vector<1000x80xf32>
    %swap3A_93 = arith.constant 1 : index
    %swap3A_94 = arith.constant 0 : index
    %swap3A_95 = arith.constant 0 : index
    %swap3A_96 = vector.load %arg6[%swap3A_93, %swap3A_94, %swap3A_95] : memref<5x1024x80xf32, #tpu.memory_space<vmem>>, vector<1x1000x80xf32>
    %swap3A_97 = vector.shape_cast %swap3A_96 : vector<1x1000x80xf32> to vector<1000x80xf32>
    %swap3A_98 = vector.shape_cast %add3A_92 : vector<1000x80xf32> to vector<1x1000x80xf32>
    tpu.vector_store %arg6[%swap3A_93, %swap3A_94, %swap3A_95], %swap3A_98 {strides = array<i32>} : memref<5x1024x80xf32, #tpu.memory_space<vmem>>, vector<1x1000x80xf32>,
    %swap3A_99 = arith.constant 1 : index
    %swap3A_100 = arith.constant 1000 : index
    %swap3A_101 = arith.constant 0 : index
    %swap3A_102 = vector.load %arg6[%swap3A_99, %swap3A_100, %swap3A_101] : memref<5x1024x80xf32, #tpu.memory_space<vmem>>, vector<1x24x80xf32>
    %swap3A_103 = vector.shape_cast %swap3A_102 : vector<1x24x80xf32> to vector<24x80xf32>
    %swap3A_104 = vector.shape_cast %broadcast_in_dim3A_87 : vector<24x80xf32> to vector<1x24x80xf32>
    tpu.vector_store %arg6[%swap3A_99, %swap3A_100, %swap3A_101], %swap3A_104 {strides = array<i32>} : memref<5x1024x80xf32, #tpu.memory_space<vmem>>, vector<1x24x80xf32>,
    %mul3A_105 = arith.constant 5.000000e-01 : f32
    %mul3A_106 = vector.broadcast %mul3A_105 : f32 to vector<1000x80xf32>
    %mul3A_107 = arith.mulf %mul3A_106, %mul3A_82 : vector<1000x80xf32>
    %sub3A_108 = arith.subf %add3A_76, %mul3A_107 : vector<1000x80xf32>
    %add3A_109 = arith.addf %sub3A_108, %mul3A_85 : vector<1000x80xf32>
    %swap3A_110 = arith.constant 2 : index
    %swap3A_111 = arith.constant 0 : index
    %swap3A_112 = arith.constant 0 : index
    %swap3A_113 = vector.load %arg6[%swap3A_110, %swap3A_111, %swap3A_112] : memref<5x1024x80xf32, #tpu.memory_space<vmem>>, vector<1x1000x80xf32>
    %swap3A_114 = vector.shape_cast %swap3A_113 : vector<1x1000x80xf32> to vector<1000x80xf32>
    %swap3A_115 = vector.shape_cast %add3A_109 : vector<1000x80xf32> to vector<1x1000x80xf32>
    tpu.vector_store %arg6[%swap3A_110, %swap3A_111, %swap3A_112], %swap3A_115 {strides = array<i32>} : memref<5x1024x80xf32, #tpu.memory_space<vmem>>, vector<1x1000x80xf32>,
    %swap3A_116 = arith.constant 2 : index
    %swap3A_117 = arith.constant 1000 : index
    %swap3A_118 = arith.constant 0 : index
    %swap3A_119 = vector.load %arg6[%swap3A_116, %swap3A_117, %swap3A_118] : memref<5x1024x80xf32, #tpu.memory_space<vmem>>, vector<1x24x80xf32>
    %swap3A_120 = vector.shape_cast %swap3A_119 : vector<1x24x80xf32> to vector<24x80xf32>
    %swap3A_121 = vector.shape_cast %broadcast_in_dim3A_87 : vector<24x80xf32> to vector<1x24x80xf32>
    tpu.vector_store %arg6[%swap3A_116, %swap3A_117, %swap3A_118], %swap3A_121 {strides = array<i32>} : memref<5x1024x80xf32, #tpu.memory_space<vmem>>, vector<1x24x80xf32>,
    %mul3A_122 = arith.constant 5.000000e-01 : f32
    %mul3A_123 = vector.broadcast %mul3A_122 : f32 to vector<1000x80xf32>
    %mul3A_124 = arith.mulf %mul3A_123, %mul3A_79 : vector<1000x80xf32>
    %add3A_125 = arith.addf %add3A_72, %mul3A_124 : vector<1000x80xf32>
    %add3A_126 = arith.addf %add3A_125, %mul3A_85 : vector<1000x80xf32>
    %swap3A_127 = arith.constant 3 : index
    %swap3A_128 = arith.constant 0 : index
    %swap3A_129 = arith.constant 0 : index
    %swap3A_130 = vector.load %arg6[%swap3A_127, %swap3A_128, %swap3A_129] : memref<5x1024x80xf32, #tpu.memory_space<vmem>>, vector<1x1000x80xf32>
    %swap3A_131 = vector.shape_cast %swap3A_130 : vector<1x1000x80xf32> to vector<1000x80xf32>
    %swap3A_132 = vector.shape_cast %add3A_126 : vector<1000x80xf32> to vector<1x1000x80xf32>
    tpu.vector_store %arg6[%swap3A_127, %swap3A_128, %swap3A_129], %swap3A_132 {strides = array<i32>} : memref<5x1024x80xf32, #tpu.memory_space<vmem>>, vector<1x1000x80xf32>,
    %swap3A_133 = arith.constant 3 : index
    %swap3A_134 = arith.constant 1000 : index
    %swap3A_135 = arith.constant 0 : index
    %swap3A_136 = vector.load %arg6[%swap3A_133, %swap3A_134, %swap3A_135] : memref<5x1024x80xf32, #tpu.memory_space<vmem>>, vector<1x24x80xf32>
    %swap3A_137 = vector.shape_cast %swap3A_136 : vector<1x24x80xf32> to vector<24x80xf32>
    %swap3A_138 = vector.shape_cast %broadcast_in_dim3A_87 : vector<24x80xf32> to vector<1x24x80xf32>
    tpu.vector_store %arg6[%swap3A_133, %swap3A_134, %swap3A_135], %swap3A_138 {strides = array<i32>} : memref<5x1024x80xf32, #tpu.memory_space<vmem>>, vector<1x24x80xf32>,
    %mul3A_139 = arith.constant 5.000000e-01 : f32
    %mul3A_140 = vector.broadcast %mul3A_139 : f32 to vector<1000x80xf32>
    %mul3A_141 = arith.mulf %mul3A_140, %mul3A_82 : vector<1000x80xf32>
    %add3A_142 = arith.addf %add3A_76, %mul3A_141 : vector<1000x80xf32>
    %add3A_143 = arith.addf %add3A_142, %mul3A_85 : vector<1000x80xf32>
    %swap3A_144 = arith.constant 4 : index
    %swap3A_145 = arith.constant 0 : index
    %swap3A_146 = arith.constant 0 : index
    %swap3A_147 = vector.load %arg6[%swap3A_144, %swap3A_145, %swap3A_146] : memref<5x1024x80xf32, #tpu.memory_space<vmem>>, vector<1x1000x80xf32>
    %swap3A_148 = vector.shape_cast %swap3A_147 : vector<1x1000x80xf32> to vector<1000x80xf32>
    %swap3A_149 = vector.shape_cast %add3A_143 : vector<1000x80xf32> to vector<1x1000x80xf32>
    tpu.vector_store %arg6[%swap3A_144, %swap3A_145, %swap3A_146], %swap3A_149 {strides = array<i32>} : memref<5x1024x80xf32, #tpu.memory_space<vmem>>, vector<1x1000x80xf32>,
    %swap3A_150 = arith.constant 4 : index
    %swap3A_151 = arith.constant 1000 : index
    %swap3A_152 = arith.constant 0 : index
    %swap3A_153 = vector.load %arg6[%swap3A_150, %swap3A_151, %swap3A_152] : memref<5x1024x80xf32, #tpu.memory_space<vmem>>, vector<1x24x80xf32>
    %swap3A_154 = vector.shape_cast %swap3A_153 : vector<1x24x80xf32> to vector<24x80xf32>
    %swap3A_155 = vector.shape_cast %broadcast_in_dim3A_87 : vector<24x80xf32> to vector<1x24x80xf32>
    tpu.vector_store %arg6[%swap3A_150, %swap3A_151, %swap3A_152], %swap3A_155 {strides = array<i32>} : memref<5x1024x80xf32, #tpu.memory_space<vmem>>, vector<1x24x80xf32>,
    return
  }
}

module attributes {stable_mosaic.version = 14 : i64} {
  func.func @_nms_body(%arg0: memref<6x32x128xf32, #tpu.memory_space<vmem>>, %arg1: memref<6x128xf32, #tpu.memory_space<vmem>>) attributes {dimension_semantics = [], scalar_prefetch = 0 : i64, scratch_operands = 0 : i64, tpu.core_type = #tpu.core_type<tc>} {
    %get3A = arith.constant 0 : index
    %get3A_0 = arith.constant 0 : index
    %get3A_1 = arith.constant 0 : index
    %get3A_2 = vector.load %arg0[%get3A, %get3A_0, %get3A_1] : memref<6x32x128xf32, #tpu.memory_space<vmem>>, vector<1x32x128xf32>
    %get3A_3 = vector.shape_cast %get3A_2 : vector<1x32x128xf32> to vector<32x128xf32>
    %get3A_4 = arith.constant 1 : index
    %get3A_5 = arith.constant 0 : index
    %get3A_6 = arith.constant 0 : index
    %get3A_7 = vector.load %arg0[%get3A_4, %get3A_5, %get3A_6] : memref<6x32x128xf32, #tpu.memory_space<vmem>>, vector<1x32x128xf32>
    %get3A_8 = vector.shape_cast %get3A_7 : vector<1x32x128xf32> to vector<32x128xf32>
    %get3A_9 = arith.constant 2 : index
    %get3A_10 = arith.constant 0 : index
    %get3A_11 = arith.constant 0 : index
    %get3A_12 = vector.load %arg0[%get3A_9, %get3A_10, %get3A_11] : memref<6x32x128xf32, #tpu.memory_space<vmem>>, vector<1x32x128xf32>
    %get3A_13 = vector.shape_cast %get3A_12 : vector<1x32x128xf32> to vector<32x128xf32>
    %get3A_14 = arith.constant 3 : index
    %get3A_15 = arith.constant 0 : index
    %get3A_16 = arith.constant 0 : index
    %get3A_17 = vector.load %arg0[%get3A_14, %get3A_15, %get3A_16] : memref<6x32x128xf32, #tpu.memory_space<vmem>>, vector<1x32x128xf32>
    %get3A_18 = vector.shape_cast %get3A_17 : vector<1x32x128xf32> to vector<32x128xf32>
    %get3A_19 = arith.constant 4 : index
    %get3A_20 = arith.constant 0 : index
    %get3A_21 = arith.constant 0 : index
    %get3A_22 = vector.load %arg0[%get3A_19, %get3A_20, %get3A_21] : memref<6x32x128xf32, #tpu.memory_space<vmem>>, vector<1x32x128xf32>
    %get3A_23 = vector.shape_cast %get3A_22 : vector<1x32x128xf32> to vector<32x128xf32>
    %get3A_24 = arith.constant 5 : index
    %get3A_25 = arith.constant 0 : index
    %get3A_26 = arith.constant 0 : index
    %get3A_27 = vector.load %arg0[%get3A_24, %get3A_25, %get3A_26] : memref<6x32x128xf32, #tpu.memory_space<vmem>>, vector<1x32x128xf32>
    %get3A_28 = vector.shape_cast %get3A_27 : vector<1x32x128xf32> to vector<32x128xf32>
    %sub3A = arith.subf %get3A_18, %get3A_8 : vector<32x128xf32>
    %sub3A_29 = arith.subf %get3A_23, %get3A_13 : vector<32x128xf32>
    %mul3A = arith.mulf %sub3A, %sub3A_29 : vector<32x128xf32>
    %iota3A = tpu.iota {dimensions = array<i32: 0>} : vector<32x128xi32>
    %mul3A_30 = arith.constant 128 : i32
    %mul3A_31 = vector.broadcast %mul3A_30 : i32 to vector<32x128xi32>
    %mul3A_32 = arith.muli %iota3A, %mul3A_31 : vector<32x128xi32>
    %iota3A_33 = tpu.iota {dimensions = array<i32: 1>} : vector<32x128xi32>
    %add3A = arith.addi %mul3A_32, %iota3A_33 : vector<32x128xi32>
    %iota3A_34 = tpu.iota {dimensions = array<i32: 1>} : vector<1x128xi32>
    %eq3A = arith.constant 0 : i32
    %eq3A_35 = vector.broadcast %eq3A : i32 to vector<32x128xi32>
    %eq3A_36 = arith.cmpi eq, %add3A, %eq3A_35 : vector<32x128xi32>
    %jit3A = arith.constant 0.000000e+00 : f32
    %broadcast_in_dim3A = vector.broadcast %jit3A : f32 to vector<32x128xf32>
    %select_n3A = arith.select %eq3A_36, %get3A_8, %broadcast_in_dim3A : vector<32x128xi1>, vector<32x128xf32>
    %reduce_sum3A = vector.shape_cast %select_n3A : vector<32x128xf32> to vector<1x32x128xf32>
    %reduce_sum3A_37 = arith.constant dense<0.000000e+00> : vector<1xf32>
    %reduce_sum3A_38 = vector.multi_reduction <add>, %reduce_sum3A, %reduce_sum3A_37 [1, 2] : vector<1x32x128xf32> to vector<1xf32>
    %reduce_sum3A_39 = vector.shape_cast %reduce_sum3A_38 : vector<1xf32> to vector<1x1x1xf32>
    %reduce_sum3A_40 = vector.extract %reduce_sum3A_39[0, 0, 0] : f32 from vector<1x1x1xf32>
    %jit3A_41 = arith.constant 0.000000e+00 : f32
    %broadcast_in_dim3A_42 = vector.broadcast %jit3A_41 : f32 to vector<32x128xf32>
    %select_n3A_43 = arith.select %eq3A_36, %get3A_13, %broadcast_in_dim3A_42 : vector<32x128xi1>, vector<32x128xf32>
    %reduce_sum3A_44 = vector.shape_cast %select_n3A_43 : vector<32x128xf32> to vector<1x32x128xf32>
    %reduce_sum3A_45 = arith.constant dense<0.000000e+00> : vector<1xf32>
    %reduce_sum3A_46 = vector.multi_reduction <add>, %reduce_sum3A_44, %reduce_sum3A_45 [1, 2] : vector<1x32x128xf32> to vector<1xf32>
    %reduce_sum3A_47 = vector.shape_cast %reduce_sum3A_46 : vector<1xf32> to vector<1x1x1xf32>
    %reduce_sum3A_48 = vector.extract %reduce_sum3A_47[0, 0, 0] : f32 from vector<1x1x1xf32>
    %jit3A_49 = arith.constant 0.000000e+00 : f32
    %broadcast_in_dim3A_50 = vector.broadcast %jit3A_49 : f32 to vector<32x128xf32>
    %select_n3A_51 = arith.select %eq3A_36, %get3A_18, %broadcast_in_dim3A_50 : vector<32x128xi1>, vector<32x128xf32>
    %reduce_sum3A_52 = vector.shape_cast %select_n3A_51 : vector<32x128xf32> to vector<1x32x128xf32>
    %reduce_sum3A_53 = arith.constant dense<0.000000e+00> : vector<1xf32>
    %reduce_sum3A_54 = vector.multi_reduction <add>, %reduce_sum3A_52, %reduce_sum3A_53 [1, 2] : vector<1x32x128xf32> to vector<1xf32>
    %reduce_sum3A_55 = vector.shape_cast %reduce_sum3A_54 : vector<1xf32> to vector<1x1x1xf32>
    %reduce_sum3A_56 = vector.extract %reduce_sum3A_55[0, 0, 0] : f32 from vector<1x1x1xf32>
    %jit3A_57 = arith.constant 0.000000e+00 : f32
    %broadcast_in_dim3A_58 = vector.broadcast %jit3A_57 : f32 to vector<32x128xf32>
    %select_n3A_59 = arith.select %eq3A_36, %get3A_23, %broadcast_in_dim3A_58 : vector<32x128xi1>, vector<32x128xf32>
    %reduce_sum3A_60 = vector.shape_cast %select_n3A_59 : vector<32x128xf32> to vector<1x32x128xf32>
    %reduce_sum3A_61 = arith.constant dense<0.000000e+00> : vector<1xf32>
    %reduce_sum3A_62 = vector.multi_reduction <add>, %reduce_sum3A_60, %reduce_sum3A_61 [1, 2] : vector<1x32x128xf32> to vector<1xf32>
    %reduce_sum3A_63 = vector.shape_cast %reduce_sum3A_62 : vector<1xf32> to vector<1x1x1xf32>
    %reduce_sum3A_64 = vector.extract %reduce_sum3A_63[0, 0, 0] : f32 from vector<1x1x1xf32>
    %broadcast_in_dim3A_65 = arith.constant 0.000000e+00 : f32
    %broadcast_in_dim3A_66 = vector.broadcast %broadcast_in_dim3A_65 : f32 to vector<1x128xf32>
    %reduce_max3A = vector.shape_cast %get3A_3 : vector<32x128xf32> to vector<1x32x128xf32>
    %reduce_max3A_67 = arith.constant dense<0xFF800000> : vector<1xf32>
    %reduce_max3A_68 = vector.multi_reduction <maximumf>, %reduce_max3A, %reduce_max3A_67 [1, 2] : vector<1x32x128xf32> to vector<1xf32>
    %reduce_max3A_69 = vector.shape_cast %reduce_max3A_68 : vector<1xf32> to vector<1x1x1xf32>
    %reduce_max3A_70 = vector.extract %reduce_max3A_69[0, 0, 0] : f32 from vector<1x1x1xf32>
    %scan3A = arith.constant 0 : i32
    %scan3A_71 = arith.constant 100 : i32
    %scan3A_72 = arith.addi %scan3A, %scan3A_71 : i32
    %scan3A_73 = arith.constant 1 : i32
    %scan3A_74:8 = scf.for %scan3A_78 = %scan3A to %scan3A_72 step %scan3A_73 iter_args(%scan3A_79 = %get3A_3, %scan3A_80 = %reduce_max3A_70, %scan3A_81 = %broadcast_in_dim3A_66, %scan3A_82 = %broadcast_in_dim3A_66, %scan3A_83 = %broadcast_in_dim3A_66, %scan3A_84 = %broadcast_in_dim3A_66, %scan3A_85 = %broadcast_in_dim3A_66, %scan3A_86 = %broadcast_in_dim3A_66) -> (vector<32x128xf32>, f32, vector<1x128xf32>, vector<1x128xf32>, vector<1x128xf32>, vector<1x128xf32>, vector<1x128xf32>, vector<1x128xf32>)  : i32 {
      %eq3A_87 = arith.constant -1.000000e+09 : f32
      %eq3A_88 = arith.cmpf oeq, %scan3A_80, %eq3A_87 : f32
      %eq3A_89 = vector.broadcast %scan3A_80 : f32 to vector<32x128xf32>
      %eq3A_90 = arith.cmpf oeq, %scan3A_79, %eq3A_89 : vector<32x128xf32>
      %jit3A_91 = arith.constant 0.000000e+00 : f32
      %broadcast_in_dim3A_92 = vector.broadcast %jit3A_91 : f32 to vector<32x128xf32>
      %select_n3A_93 = arith.select %eq3A_90, %get3A_8, %broadcast_in_dim3A_92 : vector<32x128xi1>, vector<32x128xf32>
      %reduce_sum3A_94 = vector.shape_cast %select_n3A_93 : vector<32x128xf32> to vector<1x32x128xf32>
      %reduce_sum3A_95 = arith.constant dense<0.000000e+00> : vector<1xf32>
      %reduce_sum3A_96 = vector.multi_reduction <add>, %reduce_sum3A_94, %reduce_sum3A_95 [1, 2] : vector<1x32x128xf32> to vector<1xf32>
      %reduce_sum3A_97 = vector.shape_cast %reduce_sum3A_96 : vector<1xf32> to vector<1x1x1xf32>
      %reduce_sum3A_98 = vector.extract %reduce_sum3A_97[0, 0, 0] : f32 from vector<1x1x1xf32>
      %jit3A_99 = arith.constant 0.000000e+00 : f32
      %broadcast_in_dim3A_100 = vector.broadcast %jit3A_99 : f32 to vector<32x128xf32>
      %select_n3A_101 = arith.select %eq3A_90, %get3A_13, %broadcast_in_dim3A_100 : vector<32x128xi1>, vector<32x128xf32>
      %reduce_sum3A_102 = vector.shape_cast %select_n3A_101 : vector<32x128xf32> to vector<1x32x128xf32>
      %reduce_sum3A_103 = arith.constant dense<0.000000e+00> : vector<1xf32>
      %reduce_sum3A_104 = vector.multi_reduction <add>, %reduce_sum3A_102, %reduce_sum3A_103 [1, 2] : vector<1x32x128xf32> to vector<1xf32>
      %reduce_sum3A_105 = vector.shape_cast %reduce_sum3A_104 : vector<1xf32> to vector<1x1x1xf32>
      %reduce_sum3A_106 = vector.extract %reduce_sum3A_105[0, 0, 0] : f32 from vector<1x1x1xf32>
      %jit3A_107 = arith.constant 0.000000e+00 : f32
      %broadcast_in_dim3A_108 = vector.broadcast %jit3A_107 : f32 to vector<32x128xf32>
      %select_n3A_109 = arith.select %eq3A_90, %get3A_18, %broadcast_in_dim3A_108 : vector<32x128xi1>, vector<32x128xf32>
      %reduce_sum3A_110 = vector.shape_cast %select_n3A_109 : vector<32x128xf32> to vector<1x32x128xf32>
      %reduce_sum3A_111 = arith.constant dense<0.000000e+00> : vector<1xf32>
      %reduce_sum3A_112 = vector.multi_reduction <add>, %reduce_sum3A_110, %reduce_sum3A_111 [1, 2] : vector<1x32x128xf32> to vector<1xf32>
      %reduce_sum3A_113 = vector.shape_cast %reduce_sum3A_112 : vector<1xf32> to vector<1x1x1xf32>
      %reduce_sum3A_114 = vector.extract %reduce_sum3A_113[0, 0, 0] : f32 from vector<1x1x1xf32>
      %jit3A_115 = arith.constant 0.000000e+00 : f32
      %broadcast_in_dim3A_116 = vector.broadcast %jit3A_115 : f32 to vector<32x128xf32>
      %select_n3A_117 = arith.select %eq3A_90, %get3A_23, %broadcast_in_dim3A_116 : vector<32x128xi1>, vector<32x128xf32>
      %reduce_sum3A_118 = vector.shape_cast %select_n3A_117 : vector<32x128xf32> to vector<1x32x128xf32>
      %reduce_sum3A_119 = arith.constant dense<0.000000e+00> : vector<1xf32>
      %reduce_sum3A_120 = vector.multi_reduction <add>, %reduce_sum3A_118, %reduce_sum3A_119 [1, 2] : vector<1x32x128xf32> to vector<1xf32>
      %reduce_sum3A_121 = vector.shape_cast %reduce_sum3A_120 : vector<1xf32> to vector<1x1x1xf32>
      %reduce_sum3A_122 = vector.extract %reduce_sum3A_121[0, 0, 0] : f32 from vector<1x1x1xf32>
      %jit3A_123 = arith.constant 0.000000e+00 : f32
      %broadcast_in_dim3A_124 = vector.broadcast %jit3A_123 : f32 to vector<32x128xf32>
      %select_n3A_125 = arith.select %eq3A_90, %get3A_28, %broadcast_in_dim3A_124 : vector<32x128xi1>, vector<32x128xf32>
      %reduce_sum3A_126 = vector.shape_cast %select_n3A_125 : vector<32x128xf32> to vector<1x32x128xf32>
      %reduce_sum3A_127 = arith.constant dense<0.000000e+00> : vector<1xf32>
      %reduce_sum3A_128 = vector.multi_reduction <add>, %reduce_sum3A_126, %reduce_sum3A_127 [1, 2] : vector<1x32x128xf32> to vector<1xf32>
      %reduce_sum3A_129 = vector.shape_cast %reduce_sum3A_128 : vector<1xf32> to vector<1x1x1xf32>
      %reduce_sum3A_130 = vector.extract %reduce_sum3A_129[0, 0, 0] : f32 from vector<1x1x1xf32>
      %select_n3A_131 = arith.select %eq3A_88, %reduce_sum3A_40, %reduce_sum3A_98 : f32
      %select_n3A_132 = arith.select %eq3A_88, %reduce_sum3A_48, %reduce_sum3A_106 : f32
      %select_n3A_133 = arith.select %eq3A_88, %reduce_sum3A_56, %reduce_sum3A_114 : f32
      %select_n3A_134 = arith.select %eq3A_88, %reduce_sum3A_64, %reduce_sum3A_122 : f32
      %jit3A_135 = arith.constant 0.000000e+00 : f32
      %select_n3A_136 = arith.select %eq3A_88, %jit3A_135, %reduce_sum3A_130 : f32
      %convert_element_type3A = arith.fptosi %select_n3A_136 : f32 to i32
      %jit3A_137 = arith.constant 80 : i32
      %eq3A_138 = arith.constant 0 : i32
      %eq3A_139 = arith.cmpi eq, %jit3A_137, %eq3A_138 : i32
      %jit3A_140 = arith.constant 1 : i32
      %select_n3A_141 = arith.select %eq3A_139, %jit3A_140, %jit3A_137 : i32
      %rem3A = arith.remsi %convert_element_type3A, %select_n3A_141 : i32
      %ne3A = arith.constant 0 : i32
      %ne3A_142 = arith.cmpi ne, %rem3A, %ne3A : i32
      %lt3A = arith.constant 0 : i32
      %lt3A_143 = arith.cmpi slt, %rem3A, %lt3A : i32
      %lt3A_144 = arith.constant 0 : i32
      %lt3A_145 = arith.cmpi slt, %select_n3A_141, %lt3A_144 : i32
      %ne3A_146 = arith.xori %lt3A_143, %lt3A_145 : i1
      %and3A = arith.andi %ne3A_146, %ne3A_142 : i1
      %add3A_147 = arith.addi %rem3A, %select_n3A_141 : i32
      %select_n3A_148 = arith.select %and3A, %add3A_147, %rem3A : i32
      %convert_element_type3A_149 = arith.sitofp %select_n3A_148 : i32 to f32
      %mul3A_150 = arith.constant 4.096000e+03 : f32
      %mul3A_151 = arith.mulf %convert_element_type3A_149, %mul3A_150 : f32
      %sub3A_152 = arith.subf %select_n3A_133, %select_n3A_131 : f32
      %sub3A_153 = arith.subf %select_n3A_134, %select_n3A_132 : f32
      %mul3A_154 = arith.mulf %sub3A_152, %sub3A_153 : f32
      %max3A = vector.broadcast %select_n3A_131 : f32 to vector<32x128xf32>
      %max3A_155 = arith.maximumf %max3A, %get3A_8 : vector<32x128xf32>
      %max3A_156 = vector.broadcast %select_n3A_132 : f32 to vector<32x128xf32>
      %max3A_157 = arith.maximumf %max3A_156, %get3A_13 : vector<32x128xf32>
      %min3A = vector.broadcast %select_n3A_133 : f32 to vector<32x128xf32>
      %min3A_158 = arith.minimumf %min3A, %get3A_18 : vector<32x128xf32>
      %min3A_159 = vector.broadcast %select_n3A_134 : f32 to vector<32x128xf32>
      %min3A_160 = arith.minimumf %min3A_159, %get3A_23 : vector<32x128xf32>
      %sub3A_161 = arith.subf %min3A_158, %max3A_155 : vector<32x128xf32>
      %max3A_162 = arith.constant 0.000000e+00 : f32
      %max3A_163 = vector.broadcast %max3A_162 : f32 to vector<32x128xf32>
      %max3A_164 = arith.maximumf %sub3A_161, %max3A_163 : vector<32x128xf32>
      %sub3A_165 = arith.subf %min3A_160, %max3A_157 : vector<32x128xf32>
      %max3A_166 = arith.constant 0.000000e+00 : f32
      %max3A_167 = vector.broadcast %max3A_166 : f32 to vector<32x128xf32>
      %max3A_168 = arith.maximumf %sub3A_165, %max3A_167 : vector<32x128xf32>
      %mul3A_169 = arith.mulf %max3A_164, %max3A_168 : vector<32x128xf32>
      %add3A_170 = vector.broadcast %mul3A_154 : f32 to vector<32x128xf32>
      %add3A_171 = arith.addf %add3A_170, %mul3A : vector<32x128xf32>
      %sub3A_172 = arith.subf %add3A_171, %mul3A_169 : vector<32x128xf32>
      %add3A_173 = arith.constant 9.99999971E-10 : f32
      %add3A_174 = vector.broadcast %add3A_173 : f32 to vector<32x128xf32>
      %add3A_175 = arith.addf %sub3A_172, %add3A_174 : vector<32x128xf32>
      %div3A = arith.divf %mul3A_169, %add3A_175 : vector<32x128xf32>
      %gt3A = arith.constant 5.000000e-01 : f32
      %gt3A_176 = vector.broadcast %gt3A : f32 to vector<32x128xf32>
      %gt3A_177 = arith.cmpf ogt, %div3A, %gt3A_176 : vector<32x128xf32>
      %jit3A_178 = arith.constant -1.000000e+09 : f32
      %broadcast_in_dim3A_179 = vector.broadcast %jit3A_178 : f32 to vector<32x128xf32>
      %select_n3A_180 = arith.select %gt3A_177, %broadcast_in_dim3A_179, %scan3A_79 : vector<32x128xi1>, vector<32x128xf32>
      %reduce_max3A_181 = vector.shape_cast %select_n3A_180 : vector<32x128xf32> to vector<1x32x128xf32>
      %reduce_max3A_182 = arith.constant dense<0xFF800000> : vector<1xf32>
      %reduce_max3A_183 = vector.multi_reduction <maximumf>, %reduce_max3A_181, %reduce_max3A_182 [1, 2] : vector<1x32x128xf32> to vector<1xf32>
      %reduce_max3A_184 = vector.shape_cast %reduce_max3A_183 : vector<1xf32> to vector<1x1x1xf32>
      %reduce_max3A_185 = vector.extract %reduce_max3A_184[0, 0, 0] : f32 from vector<1x1x1xf32>
      %eq3A_186 = vector.broadcast %scan3A_78 : i32 to vector<1x128xi32>
      %eq3A_187 = arith.cmpi eq, %iota3A_34, %eq3A_186 : vector<1x128xi32>
      %sub3A_188 = arith.subf %select_n3A_131, %mul3A_151 : f32
      %broadcast_in_dim3A_189 = vector.broadcast %sub3A_188 : f32 to vector<1x128xf32>
      %select_n3A_190 = arith.select %eq3A_187, %broadcast_in_dim3A_189, %scan3A_81 : vector<1x128xi1>, vector<1x128xf32>
      %sub3A_191 = arith.subf %select_n3A_132, %mul3A_151 : f32
      %broadcast_in_dim3A_192 = vector.broadcast %sub3A_191 : f32 to vector<1x128xf32>
      %select_n3A_193 = arith.select %eq3A_187, %broadcast_in_dim3A_192, %scan3A_82 : vector<1x128xi1>, vector<1x128xf32>
      %sub3A_194 = arith.subf %select_n3A_133, %mul3A_151 : f32
      %broadcast_in_dim3A_195 = vector.broadcast %sub3A_194 : f32 to vector<1x128xf32>
      %select_n3A_196 = arith.select %eq3A_187, %broadcast_in_dim3A_195, %scan3A_83 : vector<1x128xi1>, vector<1x128xf32>
      %sub3A_197 = arith.subf %select_n3A_134, %mul3A_151 : f32
      %broadcast_in_dim3A_198 = vector.broadcast %sub3A_197 : f32 to vector<1x128xf32>
      %select_n3A_199 = arith.select %eq3A_187, %broadcast_in_dim3A_198, %scan3A_84 : vector<1x128xi1>, vector<1x128xf32>
      %broadcast_in_dim3A_200 = vector.broadcast %scan3A_80 : f32 to vector<1x128xf32>
      %select_n3A_201 = arith.select %eq3A_187, %broadcast_in_dim3A_200, %scan3A_85 : vector<1x128xi1>, vector<1x128xf32>
      %convert_element_type3A_202 = arith.sitofp %select_n3A_148 : i32 to f32
      %broadcast_in_dim3A_203 = vector.broadcast %convert_element_type3A_202 : f32 to vector<1x128xf32>
      %select_n3A_204 = arith.select %eq3A_187, %broadcast_in_dim3A_203, %scan3A_86 : vector<1x128xi1>, vector<1x128xf32>
      scf.yield %select_n3A_180, %reduce_max3A_185, %select_n3A_190, %select_n3A_193, %select_n3A_196, %select_n3A_199, %select_n3A_201, %select_n3A_204 : vector<32x128xf32>, f32, vector<1x128xf32>, vector<1x128xf32>, vector<1x128xf32>, vector<1x128xf32>, vector<1x128xf32>, vector<1x128xf32>
    }
    %scan3A_75 = arith.constant 100 : i32
    %concatenate3A = tpu.concatenate %scan3A_74#2, %scan3A_74#3, %scan3A_74#4, %scan3A_74#5, %scan3A_74#6, %scan3A_74#7 in 0 : vector<1x128xf32>, vector<1x128xf32>, vector<1x128xf32>, vector<1x128xf32>, vector<1x128xf32>, vector<1x128xf32> -> vector<6x128xf32>
    %swap3A = arith.constant 0 : index
    %swap3A_76 = arith.constant 0 : index
    %swap3A_77 = vector.load %arg1[%swap3A, %swap3A_76] : memref<6x128xf32, #tpu.memory_space<vmem>>, vector<6x128xf32>
    tpu.vector_store %arg1[%swap3A, %swap3A_76], %concatenate3A {strides = array<i32>} : memref<6x128xf32, #tpu.memory_space<vmem>>, vector<6x128xf32>,
    return
  }
}

</mosaic_0001>

<sc_bundles>
// kernel: kernel.5.cloned.1.call-start
scs
__scs_entry_jumppad:
0x0: {  	(pc) =	sbr.rel $0x88, $3  }
0x1: {  	(tag) =	ssettag $0x0;
	lr =	simm.s32 $0x1  }
0x2: {  	[smem:$0x3F9E] =	sst lr;
	_ =	strace $0xD0000000  }
0x3: {  	_ = 	snop  }
0x4: {  	_ = 	snop  }
0x5: {  	_ = 	snop  }
0x6: {  	_ = 	snop  }
0x7: {  	_ = 	snop  }
__scs_overlays_trampoline_lowered:
0x8: {  	[smem:$0x3FAD] =	sst s0  }
0x9: {  	[smem:$0x3FAE] =	sst s1  }
0xa: {  	[smem:$0x3FAF] =	sst s2  }
0xb: {  	[smem:$0x3FB0] =	sst s3  }
0xc: {  	[smem:$0x3FB1] =	sst s4  }
0xd: {  	[smem:$0x3FB2] =	sst s5  }
0xe: {  	[smem:$0x3FB3] =	sst s6  }
0xf: {  	[smem:$0x3FB4] =	sst s7  }
0x10: {  	[smem:$0x3FB5] =	sst s8  }
0x11: {  	[smem:$0x3FB6] =	sst s9;
	s0 =	simm.s32 @!p0 $0x0  }
0x12: {  	s1 =	sld [smem:$0x3F9C];
	s0 =	simm.s32 @p0 $0x1  }
0x13: {  	[smem:$0x3FB7] =	sst s0;
	s0 =	simm.s32 @!p1 $0x0  }
0x14: {  	s2 =	sld [smem:$0x3F9B];
	s0 =	simm.s32 @p1 $0x1  }
0x15: {  	[smem:$0x3FB8] =	sst s0;
	s0 =	simm.s32 @!p2 $0x0  }
0x16: {  	s3 =	sld [smem:$0x3FDB];
	s0 =	simm.s32 @p2 $0x1  }
0x17: {  	s4 =	simm.s32 $0x1BF5;
	[smem:$0x3FBA] =	sst s0  }
0x18: {  	s0 =	sld [smem:$0x3F9D];
	_ =	swait.ge [sflag:s4], $0x0  }
0x19: {  	s7 =	sld [smem:$0x3F9E]  }
0x1a: {  	s8 =	sadd.s32 $0xFFFFE003, lr  }
0x1b: {  	s9 =	sadd.s32 $0xFFFFFEF7, lr;
	s5 =	simm.s32 $0xFFFFFFFF;
	p2 =	slt.u32 s8, $0xFFFFF086  }
0x1c: {  	p1 =	slt.u32 s9, $0xF7A;
	s5 =	simm.s32 @!p2 $0x0  }
0x1d: {  	s5 =	simm.s32 @p1 $0x1;
	p0 =	seq.s32 s7, s2  }
0x1e: {  	s7 =	smul.u32 @!p0 $0xF7A, s2;
	p2 =	seq.s32 @!p0 s5, $0x0  }
0x1f: {  	s9 =	smul.u32 $0xF7A, s1;
	s8 =	simm.s32 @!p0 $0x1BF5;
	p2 =	por !p2, p0  }
0x20: {  	[sflag:s8] =	ssyncset.s32 @!p0 $0xFFFFF086;
	s6 =	sadd.s32 @!p0 s3, s7;
	s7 =	simm.s32 @!p0 $0x108  }
0x21: {  	s3 =	sadd.s32 s3, s9;
	s6 =	sadd.s32 @!p0 $0x88, s6;
	s7 =	simm.s32 @p2 $0x1082  }
0x22: {  	[simem:s7], [sflag:s8] =	dma.local @!p0 [hbm:s6], $0xF7A  }
0x23: {  	s9 =	sor.u32 $0xD0000000, s2;
	s6 =	simm.s32 $0x108;
	_ =	swait.ge @!p0 [sflag:s8], $0x0  }
0x24: {  	s3 =	sadd.s32 $0x88, s3;
	s6 =	simm.s32 @!p1 $0x1082;
	[sflag:s4] =	ssyncset.s32 $0xFFFFF086  }
0x25: {  	[simem:s6], [sflag:s4] =	dma.local [hbm:s3], $0xF7A  }
0x26: {  	[smem:$0x3F9E] =	sst s1;
	(tag) =	ssettag s2;
	_ =	strace s9  }
0x27: {  	s1 =	sld [smem:$0x3FAE]  }
0x28: {  	s2 =	sld [smem:$0x3FAF]  }
0x29: {  	s4 =	sld [smem:$0x3FB1]  }
0x2a: {  	p0 =	seq.s32 s5, $0x0;
	s5 =	sld [smem:$0x3FB2]  }
0x2b: {  	s6 =	sld [smem:$0x3FB3]  }
0x2c: {  	s7 =	sld [smem:$0x3FB4]  }
0x2d: {  	s3 =	simm.s32 $0x108;
	s8 =	sld [smem:$0x3FB5]  }
0x2e: {  	s3 =	simm.s32 @!p0 $0x1082;
	s9 =	sld [smem:$0x3FB6]  }
0x2f: {  	lr =	sadd.s32 s0, s3;
	s0 =	sld [smem:$0x3FAD]  }
0x30: {  	s3 =	sld [smem:$0x3FB0]  }
0x31: {  	[smem:$0x3FB9] =	sst s10  }
0x32: {  	s10 =	sld [smem:$0x3FB7];
	_ =	sdelay $0x3  }
0x33: {  	p0 =	seq.s32 s10, $0x1;
	s10 =	sld [smem:$0x3FB9];
	_ =	sdelay $0x3  }
0x34: {  	[smem:$0x3FB9] =	sst s10  }
0x35: {  	s10 =	sld [smem:$0x3FB8];
	_ =	sdelay $0x3  }
0x36: {  	p1 =	seq.s32 s10, $0x1;
	s10 =	sld [smem:$0x3FB9];
	_ =	sdelay $0x3  }
0x37: {  	[smem:$0x3FB9] =	sst s10  }
0x38: {  	s10 =	sld [smem:$0x3FBA]  }
0x39: {  	_ = 	snop;
	(pc) =	sbr.ind lr, $3  }
0x3a: {  	_ = 	snop  }
0x3b: {  	_ = 	snop  }
0x3c: {  	p2 =	seq.s32 s10, $0x1;
	s10 =	sld [smem:$0x3FB9]  }
0x3d: {  	_ =	shalt  }
0x3e: {  	_ =	shalt  }
0x3f: {  	_ =	shalt  }
0x40: {  	_ =	shalt  }
0x41: {  	_ =	shalt  }
0x42: {  	_ =	shalt  }
0x43: {  	_ =	shalt  }
0x44: {  	_ =	shalt  }
0x45: {  	_ =	shalt  }
0x46: {  	_ =	shalt  }
0x47: {  	_ =	shalt  }
0x48: {  	_ =	shalt  }
0x49: {  	_ =	shalt  }
0x4a: {  	_ =	shalt  }
0x4b: {  	_ =	shalt  }
0x4c: {  	_ =	shalt  }
0x4d: {  	_ =	shalt  }
0x4e: {  	_ =	shalt  }
0x4f: {  	_ =	shalt  }
0x50: {  	_ =	shalt  }
0x51: {  	_ =	shalt  }
0x52: {  	_ =	shalt  }
0x53: {  	_ =	shalt  }
0x54: {  	_ =	shalt  }
0x55: {  	_ =	shalt  }
0x56: {  	_ =	shalt  }
0x57: {  	_ =	shalt  }
0x58: {  	_ =	shalt  }
0x59: {  	_ =	shalt  }
0x5a: {  	_ =	shalt  }
0x5b: {  	_ =	shalt  }
0x5c: {  	_ =	shalt  }
0x5d: {  	_ =	shalt  }
0x5e: {  	_ =	shalt  }
0x5f: {  	_ =	shalt  }
0x60: {  	_ =	shalt  }
0x61: {  	_ =	shalt  }
0x62: {  	_ =	shalt  }
0x63: {  	_ =	shalt  }
0x64: {  	_ =	shalt  }
0x65: {  	_ =	shalt  }
0x66: {  	_ =	shalt  }
0x67: {  	_ =	shalt  }
0x68: {  	_ =	shalt  }
0x69: {  	_ =	shalt  }
0x6a: {  	_ =	shalt  }
0x6b: {  	_ =	shalt  }
0x6c: {  	_ =	shalt  }
0x6d: {  	_ =	shalt  }
0x6e: {  	_ =	shalt  }
0x6f: {  	_ =	shalt  }
0x70: {  	_ =	shalt  }
0x71: {  	_ =	shalt  }
0x72: {  	_ =	shalt  }
0x73: {  	_ =	shalt  }
0x74: {  	_ =	shalt  }
0x75: {  	_ =	shalt  }
0x76: {  	_ =	shalt  }
0x77: {  	_ =	shalt  }
0x78: {  	_ =	shalt  }
0x79: {  	_ =	shalt  }
0x7a: {  	_ =	shalt  }
0x7b: {  	_ =	shalt  }
0x7c: {  	_ =	shalt  }
0x7d: {  	_ =	shalt  }
0x7e: {  	_ =	shalt  }
0x7f: {  	_ =	shalt  }
0x80: {  	_ =	shalt  }
0x81: {  	_ =	shalt  }
0x82: {  	_ =	shalt  }
0x83: {  	_ =	shalt  }
0x84: {  	_ =	shalt  }
0x85: {  	_ =	shalt  }
0x86: {  	_ =	shalt  }
0x87: {  	_ =	shalt  }
.Lfunc_end0:
.L_simem_size_0:
called_computation_lowered:
.L_overlay_start_0:
0x88: {  	s2 =	sld [smem:$0x3FD9]  }
0x89: {  	s3 =	sld [smem:$0x3FFE];
	_ =	sdelay $0x1  }
0x8a: {  	s1 =	srdreg.scid  }
0x8b: {  	s0 =	sand.u32 $0x1, s1  }
0x8c: {  	s16 =	sshll.u32 s0, $0xA;
	s2 =	sadd.s32 s3, s2  }
0x8d: {  	s2 =	sadd.s32 s2, s16  }
0x8e: {  	[smem:$0x3FC5] =	sst s2  }
0x8f: {  	_ = 	snop  }
0x90: {  	(tm) =	ssettm $0x1  }
0x91: {  	s17 =	sld [smem:$0x3FFB];
	_ =	sdelay $0x3  }
0x92: {  	_ =	strace s17  }
0x93: {  	s2 =	sld [smem:$0x3FFC];
	_ =	sdelay $0x3  }
0x94: {  	_ =	strace s2  }
0x95: {  	s2 =	sld [smem:$0x3FFD];
	_ =	sdelay $0x3  }
0x96: {  	_ =	strace s2  }
0x97: {  	_ =	strace $0x8FFFFFFF  }
0x98: {  	s18 =	sld [smem:$0x3FDB];
	_ =	sdelay $0x1  }
0x99: {  	s19 =	simm.s32 $_scs_section_size  }
0x9a: {  	s4 =	simm.s32 $_size__tile_overlayer_lowered;
	s5 =	simm.s32 $_tile_overlayer_lowered  }
0x9b: {  	s22 =	simm.s32 $0x1BFF;
	s21 =	sshll.u32 s5, $0x1;
	s2 =	sadd.s32 s19, s18  }
0x9c: {  	s6 =	simm.s32 $0x0;
	s20 =	sshll.u32 s4, $0x1;
	s4 =	sadd.s32 s21, s2  }
0x9d: {  	[timem:s6], [sflag:s22] =	dma.local [hbm:s4], s20  }
0x9e: {  	_ =	swait.ge [sflag:s22], s20  }
0x9f: {  	s3 =	ssub.s32 $0x0, s20;
	[sflag:s22] =	ssyncset.done $0x0  }
0xa0: {  	[sflag:s22] =	ssyncadd.s32 s3;
	_ =	sdelay $0x1  }
0xa1: {  	s23 =	simm.s32 $0x1B8B  }
0xa2: {  	_ =	swait.ge [sflag:s23], $0x1  }
0xa3: {  	[sflag:s23] =	ssyncset.done $0x0  }
0xa4: {  	s25 =	simm.s32 $0x1B8E;
	s24 =	sld [smem:$0x3FFE];
	[sflag:s23] =	ssyncadd.s32 $0xFFFFFFFF  }
0xa5: {  	s26 =	simm.s32 $execute0_lowered;
	[smem:$0x3FD2] =	sst s25  }
0xa6: {  	s4 =	sshll.u32 s26, $0x1;
	_ =	strace $0x80000046;
	[dreg:$0x1] =	wrdreg $0xFFFFFFFF  }
0xa7: {  	s28 =	simm.s32 $_size_execute0_lowered;
	s2 =	sadd.s32 s2, s4;
	[dreg:$0x0] =	wrdreg $0x0  }
0xa8: {  	s4 =	sshll.u32 s28, $0x1;
	[dreg:$0x2] =	wrdreg s2  }
0xa9: {  	[dreg:$0x3] =	wrdreg s4  }
0xaa: {  	[dreg:$0x4] =	wrdreg $0xC0  }
0xab: {  	_ =	task [dreg:s6], $0x5FFFF  }
0xac: {  	[dreg:$0x1] =	wrdreg $0xFFFFFFFF  }
0xad: {  	[dreg:$0x0] =	wrdreg $0x60  }
0xae: {  	[dreg:$0x2] =	wrdreg s24  }
0xaf: {  	[dreg:$0x3] =	wrdreg $0x9  }
0xb0: {  	_ =	task.clear_ibuf [dreg:s6], $0x4FFFF;
	_ =	strace $0x90000046  }
0xb1: {  	s29 =	simm.s32 $0x9;
	_ =	strace $0x80000048  }
0xb2: {  	_ =	swait.ge [sflag:s29], $0x1  }
0xb3: {  	[sflag:s29] =	ssyncadd.s32 $0xFFFFFFFF  }
0xb4: {  	_ =	strace $0x90000048  }
0xb5: {  	_ =	sfence  }
0xb6: {  	s30 =	sld [smem:$0x0];
	_ =	sdelay $0x2  }
0xb7: {  	s31 =	sshll.u32 s1, $0xD;
	s1 =	sshrl.u32 s1, $0x2  }
0xb8: {  	s3 =	sand.u32 $0x4000, s31;
	s1 =	sadd.s32 s1, s30  }
0xb9: {  	s0 =	sor.u32 s3, s0;
	s1 =	sshll.u32 s1, $0x11  }
0xba: {  	s0 =	sor.u32 s1, s0  }
0xbb: {  	s0 =	sadd.s32 $0x8F2B, s0  }
0xbc: {  	[sflag:s0] =	ssyncadd.remote.s32 $0x1  }
0xbd: {  	_ =	sfence.sel $0xFFFF  }
0xbe: {  	[dreg:$0x0] =	wrdreg $0xFFFFFFFF;
	(pc) =	sbr.abs _section_cstart, $3  }
0xbf: {  	[dreg:$0x1] =	wrdreg $0xFFFFFFFF  }
0xc0: {  	_ =	task.clear_ibuf [dreg:s6], $0x2FFFF;
	_ =	strace $0x9FFFFFFF  }
0xc1: {  	(tm) =	ssettm $0x7FFFFFFF  }
tec
execute0_lowered:
.L_overlay_start_1:
0x0: {  	(tag) =	ssettag $0x1  }
0x1: {  	s1 =	srdreg.scid  }
0x2: {  	s0 =	stileid.u32;
	s4 =	rddreg [dreg:$0x0];
	s2 =	simm.s32 $0x0  }
0x3: {  	s13 =	simm.s32 $0x1;
	s17 =	simm.s32 $0x1400;
	s18 =	simm.s32 $0x1E00  }
0x4: {  	s19 =	simm.s32 $0x2800;
	s20 =	simm.s32 $0x3200;
	s21 =	simm.s32 $0x3280  }
0x5: {  	s22 =	simm.s32 $0x3300;
	s23 =	simm.s32 $0x3380;
	s24 =	simm.s32 $0x3400  }
0x6: {  	s25 =	simm.s32 $0x3480;
	s26 =	simm.s32 $0x3500;
	s28 =	simm.s32 $0x0  }
0x7: {  	s3 =	sand.u32 $0x1, s1;
	s30 =	sshll.u32 s0, $0x1;
	[smem:$0x7FF] =	sst s2  }
0x8: {  	s1 =	rddreg [dreg:$0x1];
	s8 =	sor.u32 s3, s30;
	_ =	strace $0x80000047  }
0x9: {  	s3 =	ssub.s32 $0x2, s3;
	s16 =	smul.u32 $0xA00, s8;
	s31 =	sshll.u32 s8, $0x4  }
0xa: {  	s6 =	sshrl.u32 s3, $0x1;
	p0 =	seq.s32 s8, $0x0;
	s8 =	simm.s32 $0x1  }
0xb: {  	vm0 =	vmxor vm0, vm0;
	s14 =	sadd.s32 s31, s4;
	s15 =	ssub.s32 s3, s6;
	s13 =	simm.s32 @!p0 $0x0  }
0xc: {  	vm1 =	vmmov $0x1;
	v2 =	vlaneseq.u32;
	v3 =	vimm.s32 $0x0;
	s5 =	sshrl.u32 s16, $0x3;
	s9 =	sadd.s32 $0xD400, s14;
	s10 =	sadd.s32 $0xD600, s14  }
0xd: {  	v4 =	vadd.s32 $0x1, v2;
	v5 =	vor.u32 $0x10, v2;
	s11 =	sadd.s32 $0xD800, s14;
	s12 =	sadd.s32 $0xDA00, s14;
	v0 =	vmov s13;
	s13 =	sadd.s32 $0xDC00, s14  }
0xe: {  	v6 =	vor.u32 $0x20, v2;
	v7 =	vor.u32 $0x30, v2;
	v8 =	vor.u32 $0x40, v2;
	s14 =	sadd.s32 $0xDE00, s14;
	s15 =	smax.u32 s15, $0x1;
	s7 =	sadd.s32 s5, s4  }
0xf: {  	v9 =	vor.u32 $0x50, v2;
	vm0 =	vmneg @p0 vm0;
	v1 =	vmov s16;
	s16 =	simm.s32 $0xA00;
	s3 =	sadd.s32 $0xC00, s7;
	s4 =	sadd.s32 $0x3400, s7  }
0x10: {  	v10 =	vor.u32 $0x60, v2;
	v11 =	vor.u32 $0x70, v2;
	vm0 =	vmand vm0, vm1;
	s5 =	sadd.s32 $0x5C00, s7;
	s6 =	sadd.s32 $0x8400, s7;
	s7 =	sadd.s32 $0xAC00, s7  }
.LBB2_1:
0x11: {  	[tilespmem:s2], [sflag:$0x1] =	stream.linear.gather [hbm4b:s3+s2], $0xA00, $0x38;
	[tilespmem:$0x3580] =	vst v63  }
0x12: {  	_ =	swait.ge [sflag:s8], $0xA00  }
0x13: {  	[sflag:s8] =	ssyncset.done $0x0  }
0x14: {  	[sflag:s8] =	ssyncadd.s32 $0xFFFFF600  }
0x15: {  	[tilespmem:s16], [sflag:$0x1] =	stream.linear.gather [hbm4b:s4+s2], $0xA00, $0x38;
	[tilespmem:$0x3580] =	vst v63  }
0x16: {  	_ =	swait.ge [sflag:s8], $0xA00  }
0x17: {  	[sflag:s8] =	ssyncset.done $0x0  }
0x18: {  	[sflag:s8] =	ssyncadd.s32 $0xFFFFF600  }
0x19: {  	[tilespmem:s17], [sflag:$0x1] =	stream.linear.gather [hbm4b:s5+s2], $0xA00, $0x38;
	[tilespmem:$0x3580] =	vst v63  }
0x1a: {  	_ =	swait.ge [sflag:s8], $0xA00  }
0x1b: {  	[sflag:s8] =	ssyncset.done $0x0  }
0x1c: {  	[sflag:s8] =	ssyncadd.s32 $0xFFFFF600  }
0x1d: {  	[tilespmem:s18], [sflag:$0x1] =	stream.linear.gather [hbm4b:s6+s2], $0xA00, $0x38;
	[tilespmem:$0x3580] =	vst v63  }
0x1e: {  	_ =	swait.ge [sflag:s8], $0xA00  }
0x1f: {  	[sflag:s8] =	ssyncset.done $0x0  }
0x20: {  	[sflag:s8] =	ssyncadd.s32 $0xFFFFF600  }
0x21: {  	[tilespmem:s19], [sflag:$0x1] =	stream.linear.gather [hbm4b:s7+s2], $0xA00, $0x38;
	[tilespmem:$0x3580] =	vst v63  }
0x22: {  	_ =	swait.ge [sflag:s8], $0xA00  }
0x23: {  	[sflag:s8] =	ssyncset.done $0x0  }
0x24: {  	[sflag:s8] =	ssyncadd.s32 $0xFFFFF600  }
0x25: {  	[tilespmem:$0x3200] =	vst v3  }
0x26: {  	[tilespmem:$0x3210] =	vst v3  }
0x27: {  	[tilespmem:$0x3220] =	vst v3  }
0x28: {  	[tilespmem:$0x3230] =	vst v3  }
0x29: {  	[tilespmem:$0x3240] =	vst v3  }
0x2a: {  	[tilespmem:$0x3250] =	vst v3  }
0x2b: {  	[tilespmem:$0x3260] =	vst v3  }
0x2c: {  	s29 =	simm.s32 $0x30;
	s30 =	simm.s32 $0x20;
	v12 =	vmov v0;
	[tilespmem:$0x3270] =	vst v3  }
.LBB2_2:
0x2d: {  	v13 =	vld [tilespmem:s30+$0xFFFFFFE0];
	_ =	sdelay $0x4  }
0x2e: {  	vm1 =	vgt.f32 v13, $5.000000070e-02  }
0x2f: {  	v13 =	vsel vm1, $0x1, v3  }
0x30: {  	(xrf0) =	vadd.scan.msk.s32 $0xffff, v13;
	_ =	sdelay $0x5  }
0x31: {  	v13, _, _ =	vpop (xrf0)  }
0x32: {  	v13 =	vadd.s32 v13, v12  }
0x33: {  	v13 =	vadd.s32 $0xFFFFFFFF, v13  }
0x34: {  	vm2 =	vlt.s32 v13, $0x80  }
0x35: {  	vm1 =	vmand vm1, vm2;
	_ =	sdelay $0x3  }
0x36: {  	s31 =	sadd.s32 $0xFFFFFFD0, s29  }
0x37: {  	v14 =	vor.u32 s31, v2  }
0x38: {  	[tilespmem:v13+s20+$0x0] =	vst.idx.msk vm1, v14  }
0x39: {  	v13 =	vld [tilespmem:s30+$0xFFFFFFF0];
	_ =	sdelay $0x4  }
0x3a: {  	vm2 =	vgt.f32 v13, $5.000000070e-02  }
0x3b: {  	v13 =	vsel vm2, $0x1, v3  }
0x3c: {  	(xrf0) =	vadd.scan.msk.s32 $0xffff, v13;
	_ =	sdelay $0x1  }
0x3d: {  	v13 =	vmpcnt.ones.xlane vm1;
	_ =	sdelay $0x3  }
0x3e: {  	v12 =	vadd.s32 v12, v13;
	v13, _, _ =	vpop (xrf0)  }
0x3f: {  	v13 =	vadd.s32 v13, v12  }
0x40: {  	v13 =	vadd.s32 $0xFFFFFFFF, v13  }
0x41: {  	vm1 =	vlt.s32 v13, $0x80  }
0x42: {  	vm1 =	vmand vm2, vm1;
	_ =	sdelay $0x3  }
0x43: {  	s31 =	sadd.s32 $0xFFFFFFE0, s29  }
0x44: {  	v14 =	vor.u32 s31, v2  }
0x45: {  	[tilespmem:v13+s20+$0x0] =	vst.idx.msk vm1, v14  }
0x46: {  	v13 =	vld [tilespmem:s30+$0x0];
	_ =	sdelay $0x4  }
0x47: {  	vm2 =	vgt.f32 v13, $5.000000070e-02  }
0x48: {  	v13 =	vsel vm2, $0x1, v3  }
0x49: {  	(xrf0) =	vadd.scan.msk.s32 $0xffff, v13;
	_ =	sdelay $0x1  }
0x4a: {  	v13 =	vmpcnt.ones.xlane vm1;
	_ =	sdelay $0x3  }
0x4b: {  	v12 =	vadd.s32 v12, v13;
	v13, _, _ =	vpop (xrf0)  }
0x4c: {  	v13 =	vadd.s32 v13, v12  }
0x4d: {  	v13 =	vadd.s32 $0xFFFFFFFF, v13  }
0x4e: {  	vm1 =	vlt.s32 v13, $0x80  }
0x4f: {  	vm1 =	vmand vm2, vm1;
	_ =	sdelay $0x3  }
0x50: {  	s31 =	sadd.s32 $0xFFFFFFF0, s29  }
0x51: {  	v14 =	vor.u32 s31, v2  }
0x52: {  	[tilespmem:v13+s20+$0x0] =	vst.idx.msk vm1, v14  }
0x53: {  	v13 =	vld [tilespmem:s30+$0x10];
	_ =	sdelay $0x4  }
0x54: {  	vm2 =	vgt.f32 v13, $5.000000070e-02  }
0x55: {  	v13 =	vsel vm2, $0x1, v3  }
0x56: {  	(xrf0) =	vadd.scan.msk.s32 $0xffff, v13;
	_ =	sdelay $0x1  }
0x57: {  	v13 =	vmpcnt.ones.xlane vm1;
	_ =	sdelay $0x3  }
0x58: {  	v12 =	vadd.s32 v12, v13;
	v13, _, _ =	vpop (xrf0)  }
0x59: {  	v13 =	vadd.s32 v13, v12  }
0x5a: {  	v13 =	vadd.s32 $0xFFFFFFFF, v13  }
0x5b: {  	vm1 =	vlt.s32 v13, $0x80  }
0x5c: {  	vm1 =	vmand vm2, vm1  }
0x5d: {  	p0 =	sne.s32 s29, $0x9F0  }
.Ltmp0:
0x5e: {  	_ = 	snop;
	(pc) =	sbr.rel @p0 .LBB2_2-.Ltmp0, $4  }
0x5f: {  	_ = 	snop  }
0x60: {  	v14 =	vmpcnt.ones.xlane vm1  }
0x61: {  	v15 =	vor.u32 s29, v2  }
0x62: {  	s29 =	sadd.s32 $0x40, s29;
	s30 =	sadd.s32 $0x40, s30;
	v12 =	vadd.s32 v12, v14;
	[tilespmem:v13+s20+$0x0] =	vst.idx.msk vm1, v15  }
0x63: {  	v13 =	vld [tilespmem:$0x3200];
	_ =	sdelay $0x7  }
0x64: {  	v14 =	vld.idx.msk [tilespmem:v13+s2+$0x0], $0xffff  }
0x65: {  	v15 =	vld.idx.msk [tilespmem:v13+s16+$0x0], $0xffff  }
0x66: {  	v16 =	vld.idx.msk [tilespmem:v13+s17+$0x0], $0xffff  }
0x67: {  	v17 =	vld.idx.msk [tilespmem:v13+s18+$0x0], $0xffff  }
0x68: {  	v19 =	vld.idx.msk [tilespmem:v13+s19+$0x0], $0xffff;
	v13 =	vadd.s32 v1, v13  }
0x69: {  	v18 =	vld [tilespmem:$0x3210];
	v13 =	vcvt.s32.f32 v13;
	_ =	sdelay $0x1  }
0x6a: {  	[tilespmem:$0x3500] =	vst v13  }
0x6b: {  	[tilespmem:$0x3300] =	vst v15  }
0x6c: {  	vm1 =	vlt.s32 v12, v4;
	[tilespmem:$0x3380] =	vst v16  }
0x6d: {  	vm1 =	vmor vm0, vm1;
	[tilespmem:$0x3400] =	vst v17  }
0x6e: {  	v14 =	vsel vm1, $0xCE6E6B28, v14;
	[tilespmem:$0x3480] =	vst v19  }
0x6f: {  	[tilespmem:$0x3280] =	vst v14  }
0x70: {  	v13 =	vld.idx.msk [tilespmem:v18+s2+$0x0], $0xffff  }
0x71: {  	v14 =	vld.idx.msk [tilespmem:v18+s16+$0x0], $0xffff  }
0x72: {  	v15 =	vld.idx.msk [tilespmem:v18+s17+$0x0], $0xffff  }
0x73: {  	v16 =	vld.idx.msk [tilespmem:v18+s18+$0x0], $0xffff  }
0x74: {  	v50 =	vld [tilespmem:$0x3220]  }
0x75: {  	v19 =	vld.idx.msk [tilespmem:v18+s19+$0x0], $0xffff  }
0x76: {  	[tilespmem:$0x3310] =	vst v14  }
0x77: {  	vm1 =	vgt.s32 v12, v5;
	[tilespmem:$0x3390] =	vst v15  }
0x78: {  	v51 =	vadd.s32 v1, v18;
	v13 =	vnsel vm1, $0xCE6E6B28, v13;
	[tilespmem:$0x3410] =	vst v16  }
0x79: {  	[tilespmem:$0x3290] =	vst v13;
	v13 =	vcvt.s32.f32 v51  }
0x7a: {  	[tilespmem:$0x3490] =	vst v19  }
0x7b: {  	[tilespmem:$0x3510] =	vst v13  }
0x7c: {  	v13 =	vld.idx.msk [tilespmem:v50+s2+$0x0], $0xffff  }
0x7d: {  	v14 =	vld.idx.msk [tilespmem:v50+s16+$0x0], $0xffff  }
0x7e: {  	v15 =	vld.idx.msk [tilespmem:v50+s17+$0x0], $0xffff  }
0x7f: {  	v16 =	vld.idx.msk [tilespmem:v50+s18+$0x0], $0xffff  }
0x80: {  	v52 =	vld [tilespmem:$0x3230]  }
0x81: {  	v19 =	vld.idx.msk [tilespmem:v50+s19+$0x0], $0xffff  }
0x82: {  	[tilespmem:$0x3320] =	vst v14  }
0x83: {  	vm1 =	vgt.s32 v12, v6;
	[tilespmem:$0x33A0] =	vst v15  }
0x84: {  	v53 =	vadd.s32 v1, v50;
	v13 =	vnsel vm1, $0xCE6E6B28, v13;
	[tilespmem:$0x3420] =	vst v16  }
0x85: {  	[tilespmem:$0x32A0] =	vst v13;
	v13 =	vcvt.s32.f32 v53  }
0x86: {  	[tilespmem:$0x34A0] =	vst v19  }
0x87: {  	[tilespmem:$0x3520] =	vst v13  }
0x88: {  	v13 =	vld.idx.msk [tilespmem:v52+s2+$0x0], $0xffff  }
0x89: {  	v14 =	vld.idx.msk [tilespmem:v52+s16+$0x0], $0xffff  }
0x8a: {  	v15 =	vld.idx.msk [tilespmem:v52+s17+$0x0], $0xffff  }
0x8b: {  	v16 =	vld.idx.msk [tilespmem:v52+s18+$0x0], $0xffff  }
0x8c: {  	v54 =	vld [tilespmem:$0x3240]  }
0x8d: {  	v19 =	vld.idx.msk [tilespmem:v52+s19+$0x0], $0xffff  }
0x8e: {  	[tilespmem:$0x3330] =	vst v14  }
0x8f: {  	vm1 =	vgt.s32 v12, v7;
	[tilespmem:$0x33B0] =	vst v15  }
0x90: {  	v55 =	vadd.s32 v1, v52;
	v13 =	vnsel vm1, $0xCE6E6B28, v13;
	[tilespmem:$0x3430] =	vst v16  }
0x91: {  	[tilespmem:$0x32B0] =	vst v13;
	v13 =	vcvt.s32.f32 v55  }
0x92: {  	[tilespmem:$0x34B0] =	vst v19  }
0x93: {  	[tilespmem:$0x3530] =	vst v13  }
0x94: {  	v13 =	vld.idx.msk [tilespmem:v54+s2+$0x0], $0xffff  }
0x95: {  	v14 =	vld.idx.msk [tilespmem:v54+s16+$0x0], $0xffff  }
0x96: {  	v15 =	vld.idx.msk [tilespmem:v54+s17+$0x0], $0xffff  }
0x97: {  	v16 =	vld.idx.msk [tilespmem:v54+s18+$0x0], $0xffff  }
0x98: {  	v56 =	vld [tilespmem:$0x3250]  }
0x99: {  	v19 =	vld.idx.msk [tilespmem:v54+s19+$0x0], $0xffff  }
0x9a: {  	[tilespmem:$0x3340] =	vst v14  }
0x9b: {  	vm1 =	vgt.s32 v12, v8;
	[tilespmem:$0x33C0] =	vst v15  }
0x9c: {  	v57 =	vadd.s32 v1, v54;
	v13 =	vnsel vm1, $0xCE6E6B28, v13;
	[tilespmem:$0x3440] =	vst v16  }
0x9d: {  	[tilespmem:$0x32C0] =	vst v13;
	v13 =	vcvt.s32.f32 v57  }
0x9e: {  	[tilespmem:$0x34C0] =	vst v19  }
0x9f: {  	[tilespmem:$0x3540] =	vst v13  }
0xa0: {  	v13 =	vld.idx.msk [tilespmem:v56+s2+$0x0], $0xffff  }
0xa1: {  	v14 =	vld.idx.msk [tilespmem:v56+s16+$0x0], $0xffff  }
0xa2: {  	v15 =	vld.idx.msk [tilespmem:v56+s17+$0x0], $0xffff  }
0xa3: {  	v16 =	vld.idx.msk [tilespmem:v56+s18+$0x0], $0xffff  }
0xa4: {  	v58 =	vld [tilespmem:$0x3260]  }
0xa5: {  	v19 =	vld.idx.msk [tilespmem:v56+s19+$0x0], $0xffff  }
0xa6: {  	[tilespmem:$0x3350] =	vst v14  }
0xa7: {  	vm1 =	vgt.s32 v12, v9;
	[tilespmem:$0x33D0] =	vst v15  }
0xa8: {  	v59 =	vadd.s32 v1, v56;
	v13 =	vnsel vm1, $0xCE6E6B28, v13;
	[tilespmem:$0x3450] =	vst v16  }
0xa9: {  	[tilespmem:$0x32D0] =	vst v13;
	v13 =	vcvt.s32.f32 v59  }
0xaa: {  	[tilespmem:$0x34D0] =	vst v19  }
0xab: {  	[tilespmem:$0x3550] =	vst v13  }
0xac: {  	v13 =	vld.idx.msk [tilespmem:v58+s2+$0x0], $0xffff  }
0xad: {  	v14 =	vld.idx.msk [tilespmem:v58+s16+$0x0], $0xffff  }
0xae: {  	v15 =	vld.idx.msk [tilespmem:v58+s17+$0x0], $0xffff  }
0xaf: {  	v16 =	vld.idx.msk [tilespmem:v58+s18+$0x0], $0xffff  }
0xb0: {  	v60 =	vld [tilespmem:$0x3270]  }
0xb1: {  	v19 =	vld.idx.msk [tilespmem:v58+s19+$0x0], $0xffff  }
0xb2: {  	[tilespmem:$0x3360] =	vst v14  }
0xb3: {  	vm1 =	vgt.s32 v12, v10;
	[tilespmem:$0x33E0] =	vst v15  }
0xb4: {  	v61 =	vadd.s32 v1, v58;
	v13 =	vnsel vm1, $0xCE6E6B28, v13;
	[tilespmem:$0x3460] =	vst v16  }
0xb5: {  	[tilespmem:$0x32E0] =	vst v13;
	v13 =	vcvt.s32.f32 v61  }
0xb6: {  	[tilespmem:$0x34E0] =	vst v19  }
0xb7: {  	[tilespmem:$0x3560] =	vst v13  }
0xb8: {  	v13 =	vld.idx.msk [tilespmem:v60+s2+$0x0], $0xffff  }
0xb9: {  	v14 =	vld.idx.msk [tilespmem:v60+s16+$0x0], $0xffff  }
0xba: {  	v15 =	vld.idx.msk [tilespmem:v60+s17+$0x0], $0xffff  }
0xbb: {  	v16 =	vld.idx.msk [tilespmem:v60+s18+$0x0], $0xffff;
	_ =	sdelay $0x1  }
0xbc: {  	v62 =	vld.idx.msk [tilespmem:v60+s19+$0x0], $0xffff  }
0xbd: {  	[tilespmem:$0x3370] =	vst v14  }
0xbe: {  	vm1 =	vgt.s32 v12, v11;
	[tilespmem:$0x33F0] =	vst v15  }
0xbf: {  	v63 =	vadd.s32 v1, v60;
	v13 =	vnsel vm1, $0xCE6E6B28, v13;
	[tilespmem:$0x3470] =	vst v16  }
0xc0: {  	[tilespmem:$0x32F0] =	vst v13;
	v13 =	vcvt.s32.f32 v63  }
0xc1: {  	[tilespmem:$0x34F0] =	vst v62  }
0xc2: {  	[tilespmem:$0x3570] =	vst v13  }
0xc3: {  	[hbm4b:s9+s2] =	stream.linear.scatter [tilespmem:s21], [sflag:$0x1], $0x80, $0x38;
	[tilespmem:$0x3580] =	vst v63  }
0xc4: {  	_ =	swait.ge [sflag:s8], $0x80  }
0xc5: {  	[sflag:s8] =	ssyncset.done $0x0  }
0xc6: {  	[sflag:s8] =	ssyncadd.s32 $0xFFFFFF80  }
0xc7: {  	[hbm4b:s10+s2] =	stream.linear.scatter [tilespmem:s22], [sflag:$0x1], $0x80, $0x38;
	[tilespmem:$0x3580] =	vst v63  }
0xc8: {  	_ =	swait.ge [sflag:s8], $0x80  }
0xc9: {  	[sflag:s8] =	ssyncset.done $0x0  }
0xca: {  	[sflag:s8] =	ssyncadd.s32 $0xFFFFFF80  }
0xcb: {  	[hbm4b:s11+s2] =	stream.linear.scatter [tilespmem:s23], [sflag:$0x1], $0x80, $0x38;
	[tilespmem:$0x3580] =	vst v63  }
0xcc: {  	_ =	swait.ge [sflag:s8], $0x80  }
0xcd: {  	[sflag:s8] =	ssyncset.done $0x0  }
0xce: {  	[sflag:s8] =	ssyncadd.s32 $0xFFFFFF80  }
0xcf: {  	[hbm4b:s12+s2] =	stream.linear.scatter [tilespmem:s24], [sflag:$0x1], $0x80, $0x38;
	[tilespmem:$0x3580] =	vst v63  }
0xd0: {  	_ =	swait.ge [sflag:s8], $0x80  }
0xd1: {  	[sflag:s8] =	ssyncset.done $0x0  }
0xd2: {  	[sflag:s8] =	ssyncadd.s32 $0xFFFFFF80  }
0xd3: {  	[hbm4b:s13+s2] =	stream.linear.scatter [tilespmem:s25], [sflag:$0x1], $0x80, $0x38;
	[tilespmem:$0x3580] =	vst v63  }
0xd4: {  	s28 =	sadd.s32 $0x1, s28;
	_ =	swait.ge [sflag:s8], $0x80  }
0xd5: {  	p0 =	sne.s32 s28, s15;
	[sflag:s8] =	ssyncset.done $0x0  }
.Ltmp1:
0xd6: {  	[sflag:s8] =	ssyncadd.s32 $0xFFFFFF80;
	(pc) =	sbr.rel @p0 .LBB2_1-.Ltmp1, $4  }
0xd7: {  	[hbm4b:s14+s2] =	stream.linear.scatter [tilespmem:s26], [sflag:$0x1], $0x80, $0x38;
	[tilespmem:$0x3580] =	vst v63  }
0xd8: {  	_ =	swait.ge [sflag:s8], $0x80  }
0xd9: {  	[sflag:s8] =	ssyncset.done $0x0  }
0xda: {  	[sflag:s8] =	ssyncadd.s32 $0xFFFFFF80  }
0xdb: {  	_ =	sfence.sel $0x180000  }
0xdc: {  	[bflag:$0x0] =	sbarrier.arrive $0xFFFF  }
0xdd: {  	p0 =	sne.s32 s0, $0x0;
	_ =	strace $0x90000047  }
0xde: {  	s0 =	sadd.s32 @!p0 $0x100000, s1;
	[bflag:$0x2] =	sbarrier.arrive $0xFFFF  }
0xdf: {  	[sflag:s0] =	ssyncadd.tile.s32 @!p0 $0x1;
	_ =	shalt  }
.Lfunc_end2:
_tile_overlayer_lowered:
.L_overlay_start_2:
0xe0: {  	(tag) =	ssettag $0x2  }
0xe1: {  	s0 =	rddreg [dreg:$0x0];
	s2 =	stileid.u32  }
0xe2: {  	s1 =	rddreg [dreg:$0x1];
	p0 =	sne.s32 s2, $0x0  }
0xe3: {  	s3 =	rddreg [dreg:$0x2];
	[bflag:$0x3] =	sbarrier.arrive $0xFFFF;
	s2 =	simm.s32 @!p0 $0x1C01  }
0xe4: {  	[timem:s3], [sflag:s2] =	dma.local @!p0 [hbm:s0], s1  }
0xe5: {  	s0 =	simm.s32 @!p0 $0x1  }
0xe6: {  	_ =	swait.ge @!p0 [sflag:s0], s1  }
0xe7: {  	s1 =	ssub.s32 @!p0 $0x0, s1;
	[sflag:s0] =	ssyncset.done @!p0 $0x0  }
0xe8: {  	[sflag:s0] =	ssyncadd.s32 @!p0 s1  }
0xe9: {  	[bflag:$0x3] =	sbarrier.arrive $0xFFFF  }
0xea: {  	_ =	shalt  }

</sc_bundles>
